<compile_context>
chip_gen: v7x
topology: tpu7x:2x2x1
jax: 0.10.2.dev20260603
libtpu: 0.0.44.dev20260713+nightly
codegen_flags: <defaults>
</compile_context>

<pallas_src>
import functools

import jax
import jax.numpy as jnp
from jax import lax
from jax.experimental import pallas as pl
from jax.experimental.pallas import tpu as pltpu
from jax.experimental.pallas import tpu_sc as plsc

B, L, F = 4096, 20, 26
VOCAB, DIM = 100000, 32
NC, NS = 2, 16
NW = NC * NS
NU = F * DIM
UPW = NU // NW
BC = 256
NBC = B // BC
KG = BC // 16
NPAIR = NBC // 2


def _build(ncores):
    mesh = plsc.VectorSubcoreMesh(core_axis_name="c", subcore_axis_name="s")

    @functools.partial(
        pl.kernel,
        mesh=mesh,
        out_type=jax.ShapeDtypeStruct((L, NU // 8, B // 128, 8, 128),
                                      jnp.float32),
        scratch_types=[
            pltpu.VMEM((VOCAB,), jnp.float32),
            pltpu.VMEM((L, BC), jnp.int32),
            pltpu.VMEM((L, BC), jnp.int32),
            pltpu.VMEM((L, BC // 128, 128), jnp.float32),
            pltpu.VMEM((L, BC // 128, 128), jnp.float32),
            pltpu.SemaphoreType.DMA,
            pltpu.SemaphoreType.DMA,
            pltpu.SemaphoreType.DMA,
            pltpu.SemaphoreType.DMA,
            pltpu.SemaphoreType.DMA,
        ],
        compiler_params=pltpu.CompilerParams(
            use_tc_tiling_on_sc=False, needs_layout_passes=False),
    )
    def run(xt, tabt, outt, slab, xb0, xb1, ob0, ob1,
            osem0, osem1, xsem0, xsem1, ssem):
        xb = (xb0, xb1)
        ob = (ob0, ob1)
        osem = (osem0, osem1)
        xsem = (xsem0, xsem1)

        wid = lax.axis_index("s") * ncores + lax.axis_index("c")

        def compute(p):
            def lrow(l, cy):
                for k in range(KG):
                    s = pl.ds(k * 16, 16)
                    so = pl.ds((k % 8) * 16, 16)
                    ob[p][l, k // 8, so] = plsc.load_gather(slab,
                                                            [xb[p][l, s]])
                return cy

            lax.fori_loop(0, L, lrow, 0)

        def unit(j, carry):
            u = wid * UPW + j
            f = u // DIM
            d = u % DIM

            def fire_x(c, p):
                pltpu.async_copy(xt.at[f, :, pl.ds(c * BC, BC)], xb[p],
                                 xsem[p])

            def wait_x(c, p):
                pltpu.make_async_copy(xt.at[f, :, pl.ds(c * BC, BC)], xb[p],
                                      xsem[p]).wait()

            def fire_out(c, p):
                pltpu.async_copy(
                    ob[p],
                    outt.at[:, u // 8, pl.ds(c * (BC // 128), BC // 128),
                            u % 8, :],
                    osem[p])

            def wait_out(c, p):
                pltpu.make_async_copy(
                    ob[p],
                    outt.at[:, u // 8, pl.ds(c * (BC // 128), BC // 128),
                            u % 8, :],
                    osem[p]).wait()

            pltpu.async_copy(tabt.at[f, d, :], slab, ssem)
            fire_x(0, 0)
            fire_x(1, 1)

            @pl.when(j > 0)
            def _():
                up = u - 1
                for (c, p) in ((NBC - 2, 0), (NBC - 1, 1)):
                    pltpu.make_async_copy(
                        ob[p],
                        outt.at[:, up // 8,
                                pl.ds(c * (BC // 128), BC // 128),
                                up % 8, :],
                        osem[p]).wait()

            pltpu.make_async_copy(tabt.at[f, d, :], slab, ssem).wait()

            def pairs(t, cy):
                c = 2 * t
                wait_x(c, 0)

                @pl.when(t > 0)
                def _():
                    wait_out(c - 2, 0)

                compute(0)
                fire_out(c, 0)

                @pl.when(t < NPAIR - 1)
                def _():
                    fire_x(c + 2, 0)

                wait_x(c + 1, 1)

                @pl.when(t > 0)
                def _():
                    wait_out(c - 1, 1)

                compute(1)
                fire_out(c + 1, 1)

                @pl.when(t < NPAIR - 1)
                def _():
                    fire_x(c + 3, 1)

                return cy

            lax.fori_loop(0, NPAIR, pairs, 0)

            @pl.when(j == UPW - 1)
            def _():
                wait_out(NBC - 2, 0)
                wait_out(NBC - 1, 1)

            return carry

        lax.fori_loop(0, UPW, unit, 0)

    return run


def kernel(x, tables):
    xt = jnp.transpose(x.astype(jnp.int32), (2, 1, 0))
    tabt = jnp.transpose(tables, (0, 2, 1))
    out5 = _build(NC)(xt, tabt)
    return jnp.transpose(out5, (2, 4, 0, 1, 3)).reshape(B, L, F * DIM)

# --- scband reference (transcript-rebuilt; emitter-appended) ---
"""Pipeline reference for scband-multi-embedding-81381040324954 (READ-ONLY COPY).

The authoritative reference and input builder live on the scoring server;
editing this copy changes nothing except your own understanding.
"""

import jax, jax.numpy as jnp
import numpy as np

B, L, F = 4096, 20, 26
VOCAB, DIM = 100000, 32

def setup_inputs(seed: int = 0) -> dict:
    key = jax.random.key(seed)
    k_idx, k_tab = jax.random.split(key)
    x = jax.random.randint(k_idx, (B, L, F), 0, VOCAB, dtype=jnp.int64 if jax.config.read('jax_enable_x64') else jnp.int32)
    # 26 embedding tables of identical shape, stacked for convenience: [F, VOCAB, DIM]
    tables = jax.random.normal(k_tab, (F, VOCAB, DIM), dtype=jnp.float32) * 0.02
    return {"x": x, "tables": tables}

def reference(x, tables):
    # Faithful translation of MultiEmbedding.forward:
    # concat([emb_i(x[:, :, i]) for i in range(F)], axis=-1)
    F_ = x.shape[-1]
    outs = [jnp.take(tables[i], x[:, :, i], axis=0) for i in range(F_)]
    return jnp.concatenate(outs, axis=-1)

if __name__ == "__main__":
    import jax
    _d = setup_inputs()
    print(jax.jit(kernel)(*tuple(_d.values())))

</pallas_src>

<mosaic_0001>
#map = affine_map<(d0, d1) -> (0, 0, 0)>
#map1 = affine_map<(d0, d1) -> (0, 0, 0, 0, 0)>
module attributes {stable_mosaic.version = 14 : i64} {
  func.func @run(%arg0: i32, %arg1: i32, %arg2: memref<26x20x4096xi32, #tpu.memory_space<hbm>>, %arg3: memref<26x32x100000xf32, #tpu.memory_space<hbm>>, %arg4: memref<20x104x32x8x128xf32, #tpu.memory_space<hbm>>, %arg5: memref<100000xf32, #tpu.memory_space<vmem>>, %arg6: memref<20x256xi32, #tpu.memory_space<vmem>>, %arg7: memref<20x256xi32, #tpu.memory_space<vmem>>, %arg8: memref<20x2x128xf32, #tpu.memory_space<vmem>>, %arg9: memref<20x2x128xf32, #tpu.memory_space<vmem>>, %arg10: memref<!tpu.dma_semaphore, #tpu.memory_space<semaphore_mem>>, %arg11: memref<!tpu.dma_semaphore, #tpu.memory_space<semaphore_mem>>, %arg12: memref<!tpu.dma_semaphore, #tpu.memory_space<semaphore_mem>>, %arg13: memref<!tpu.dma_semaphore, #tpu.memory_space<semaphore_mem>>, %arg14: memref<!tpu.dma_semaphore, #tpu.memory_space<semaphore_mem>>) attributes {dimension_semantics = [#tpu.dimension_semantics<core_parallel>, #tpu.dimension_semantics<subcore_parallel>], iteration_bounds = array<i64: 2, 16>, scalar_prefetch = 0 : i64, scratch_operands = 10 : i64, tpu.core_type = #tpu.core_type<sc_vector_subcore>, window_params = [{transform_indices = #map}, {transform_indices = #map}, {transform_indices = #map1}]} {
    %mul3A = arith.constant 2 : i32
    %mul3A_0 = arith.muli %arg1, %mul3A : i32
    %add3A = arith.addi %mul3A_0, %arg0 : i32
    %scan3A = arith.constant 0 : i32
    %scan3A_1 = arith.constant 0 : i32
    %scan3A_2 = arith.constant 26 : i32
    %scan3A_3 = arith.addi %scan3A_1, %scan3A_2 : i32
    %scan3A_4 = arith.constant 1 : i32
    scf.for %scan3A_6 = %scan3A_1 to %scan3A_3 step %scan3A_4  : i32 {
      %mul3A_7 = arith.constant 26 : i32
      %mul3A_8 = arith.muli %add3A, %mul3A_7 : i32
      %add3A_9 = arith.addi %mul3A_8, %scan3A_6 : i32
      %jit3A = arith.constant 32 : i32
      %div3A = arith.divsi %add3A_9, %jit3A : i32
      %sign3A = arith.constant 0 : i32
      %sign3A_10 = arith.cmpi sgt, %add3A_9, %sign3A : i32
      %sign3A_11 = arith.extui %sign3A_10 : i1 to i32
      %sign3A_12 = arith.constant 0 : i32
      %sign3A_13 = arith.cmpi slt, %add3A_9, %sign3A_12 : i32
      %sign3A_14 = arith.extui %sign3A_13 : i1 to i32
      %sign3A_15 = arith.subi %sign3A_11, %sign3A_14 : i32
      %sign3A_16 = arith.constant 0 : i32
      %sign3A_17 = arith.cmpi sgt, %jit3A, %sign3A_16 : i32
      %sign3A_18 = arith.extui %sign3A_17 : i1 to i32
      %sign3A_19 = arith.constant 0 : i32
      %sign3A_20 = arith.cmpi slt, %jit3A, %sign3A_19 : i32
      %sign3A_21 = arith.extui %sign3A_20 : i1 to i32
      %sign3A_22 = arith.subi %sign3A_18, %sign3A_21 : i32
      %ne3A = arith.cmpi ne, %sign3A_15, %sign3A_22 : i32
      %rem3A = arith.remsi %add3A_9, %jit3A : i32
      %ne3A_23 = arith.constant 0 : i32
      %ne3A_24 = arith.cmpi ne, %rem3A, %ne3A_23 : i32
      %and3A = arith.andi %ne3A, %ne3A_24 : i1
      %sub3A = arith.constant 1 : i32
      %sub3A_25 = arith.subi %div3A, %sub3A : i32
      %select_n3A = arith.select %and3A, %sub3A_25, %div3A : i32
      %jit3A_26 = arith.constant 32 : i32
      %eq3A = arith.constant 0 : i32
      %eq3A_27 = arith.cmpi eq, %jit3A_26, %eq3A : i32
      %jit3A_28 = arith.constant 1 : i32
      %select_n3A_29 = arith.select %eq3A_27, %jit3A_28, %jit3A_26 : i32
      %rem3A_30 = arith.remsi %add3A_9, %select_n3A_29 : i32
      %ne3A_31 = arith.constant 0 : i32
      %ne3A_32 = arith.cmpi ne, %rem3A_30, %ne3A_31 : i32
      %lt3A = arith.constant 0 : i32
      %lt3A_33 = arith.cmpi slt, %rem3A_30, %lt3A : i32
      %lt3A_34 = arith.constant 0 : i32
      %lt3A_35 = arith.cmpi slt, %select_n3A_29, %lt3A_34 : i32
      %ne3A_36 = arith.xori %lt3A_33, %lt3A_35 : i1
      %and3A_37 = arith.andi %ne3A_36, %ne3A_32 : i1
      %add3A_38 = arith.addi %rem3A_30, %select_n3A_29 : i32
      %select_n3A_39 = arith.select %and3A_37, %add3A_38, %rem3A_30 : i32
      %dma_start3A = arith.constant 0 : i32
      %dma_start3A_40 = tpu.memref_slice %arg3[%select_n3A, %select_n3A_39, %dma_start3A] : memref<26x32x100000xf32, #tpu.memory_space<hbm>> -> memref<1x1x100000xf32, #tpu.memory_space<hbm>>
      %dma_start3A_41 = tpu.memref_squeeze %dma_start3A_40 : memref<1x1x100000xf32, #tpu.memory_space<hbm>> -> memref<100000xf32, #tpu.memory_space<hbm>>
      %dma_start3A_42 = arith.constant 0 : i32
      %dma_start3A_43 = tpu.memref_slice %arg3[%select_n3A, %select_n3A_39, %dma_start3A_42] : memref<26x32x100000xf32, #tpu.memory_space<hbm>> -> memref<1x1x100000xf32, #tpu.memory_space<hbm>>
      %dma_start3A_44 = tpu.memref_squeeze %dma_start3A_43 : memref<1x1x100000xf32, #tpu.memory_space<hbm>> -> memref<100000xf32, #tpu.memory_space<hbm>>
      tpu.enqueue_dma source(%dma_start3A_44 : memref<100000xf32, #tpu.memory_space<hbm>>) target(%arg5 : memref<100000xf32, #tpu.memory_space<vmem>>) target_semaphore(%arg14 : memref<!tpu.dma_semaphore, #tpu.memory_space<semaphore_mem>>)
      %dma_start3A_45 = arith.constant 0 : i32
      %dma_start3A_46 = arith.constant 0 : i32
      %dma_start3A_47 = tpu.memref_slice %arg2[%select_n3A, %dma_start3A_45, %dma_start3A_46] : memref<26x20x4096xi32, #tpu.memory_space<hbm>> -> memref<1x20x256xi32, #tpu.memory_space<hbm>>
      %dma_start3A_48 = tpu.memref_squeeze %dma_start3A_47 : memref<1x20x256xi32, #tpu.memory_space<hbm>> -> memref<20x256xi32, #tpu.memory_space<hbm>>
      %dma_start3A_49 = arith.constant 0 : i32
      %dma_start3A_50 = arith.constant 0 : i32
      %dma_start3A_51 = tpu.memref_slice %arg2[%select_n3A, %dma_start3A_49, %dma_start3A_50] : memref<26x20x4096xi32, #tpu.memory_space<hbm>> -> memref<1x20x256xi32, #tpu.memory_space<hbm>>
      %dma_start3A_52 = tpu.memref_squeeze %dma_start3A_51 : memref<1x20x256xi32, #tpu.memory_space<hbm>> -> memref<20x256xi32, #tpu.memory_space<hbm>>
      tpu.enqueue_dma source(%dma_start3A_52 : memref<20x256xi32, #tpu.memory_space<hbm>>) target(%arg6 : memref<20x256xi32, #tpu.memory_space<vmem>>) target_semaphore(%arg12 : memref<!tpu.dma_semaphore, #tpu.memory_space<semaphore_mem>>)
      %dma_start3A_53 = arith.constant 0 : i32
      %dma_start3A_54 = arith.constant 256 : i32
      %dma_start3A_55 = tpu.memref_slice %arg2[%select_n3A, %dma_start3A_53, %dma_start3A_54] : memref<26x20x4096xi32, #tpu.memory_space<hbm>> -> memref<1x20x256xi32, #tpu.memory_space<hbm>>
      %dma_start3A_56 = tpu.memref_squeeze %dma_start3A_55 : memref<1x20x256xi32, #tpu.memory_space<hbm>> -> memref<20x256xi32, #tpu.memory_space<hbm>>
      %dma_start3A_57 = arith.constant 0 : i32
      %dma_start3A_58 = arith.constant 256 : i32
      %dma_start3A_59 = tpu.memref_slice %arg2[%select_n3A, %dma_start3A_57, %dma_start3A_58] : memref<26x20x4096xi32, #tpu.memory_space<hbm>> -> memref<1x20x256xi32, #tpu.memory_space<hbm>>
      %dma_start3A_60 = tpu.memref_squeeze %dma_start3A_59 : memref<1x20x256xi32, #tpu.memory_space<hbm>> -> memref<20x256xi32, #tpu.memory_space<hbm>>
      tpu.enqueue_dma source(%dma_start3A_60 : memref<20x256xi32, #tpu.memory_space<hbm>>) target(%arg7 : memref<20x256xi32, #tpu.memory_space<vmem>>) target_semaphore(%arg13 : memref<!tpu.dma_semaphore, #tpu.memory_space<semaphore_mem>>)
      %gt3A = arith.constant 0 : i32
      %gt3A_61 = arith.cmpi sgt, %scan3A_6, %gt3A : i32
      %convert_element_type3A = arith.extui %gt3A_61 : i1 to i32
      %cond3A = arith.constant 0 : i32
      %cond3A_62 = arith.cmpi ne, %convert_element_type3A, %cond3A : i32
      scf.if %cond3A_62 {
        %sub3A_79 = arith.constant 1 : i32
        %sub3A_80 = arith.subi %add3A_9, %sub3A_79 : i32
        %jit3A_81 = arith.constant 8 : i32
        %div3A_82 = arith.divsi %sub3A_80, %jit3A_81 : i32
        %sign3A_83 = arith.constant 0 : i32
        %sign3A_84 = arith.cmpi sgt, %sub3A_80, %sign3A_83 : i32
        %sign3A_85 = arith.extui %sign3A_84 : i1 to i32
        %sign3A_86 = arith.constant 0 : i32
        %sign3A_87 = arith.cmpi slt, %sub3A_80, %sign3A_86 : i32
        %sign3A_88 = arith.extui %sign3A_87 : i1 to i32
        %sign3A_89 = arith.subi %sign3A_85, %sign3A_88 : i32
        %sign3A_90 = arith.constant 0 : i32
        %sign3A_91 = arith.cmpi sgt, %jit3A_81, %sign3A_90 : i32
        %sign3A_92 = arith.extui %sign3A_91 : i1 to i32
        %sign3A_93 = arith.constant 0 : i32
        %sign3A_94 = arith.cmpi slt, %jit3A_81, %sign3A_93 : i32
        %sign3A_95 = arith.extui %sign3A_94 : i1 to i32
        %sign3A_96 = arith.subi %sign3A_92, %sign3A_95 : i32
        %ne3A_97 = arith.cmpi ne, %sign3A_89, %sign3A_96 : i32
        %rem3A_98 = arith.remsi %sub3A_80, %jit3A_81 : i32
        %ne3A_99 = arith.constant 0 : i32
        %ne3A_100 = arith.cmpi ne, %rem3A_98, %ne3A_99 : i32
        %and3A_101 = arith.andi %ne3A_97, %ne3A_100 : i1
        %sub3A_102 = arith.constant 1 : i32
        %sub3A_103 = arith.subi %div3A_82, %sub3A_102 : i32
        %select_n3A_104 = arith.select %and3A_101, %sub3A_103, %div3A_82 : i32
        %jit3A_105 = arith.constant 8 : i32
        %eq3A_106 = arith.constant 0 : i32
        %eq3A_107 = arith.cmpi eq, %jit3A_105, %eq3A_106 : i32
        %jit3A_108 = arith.constant 1 : i32
        %select_n3A_109 = arith.select %eq3A_107, %jit3A_108, %jit3A_105 : i32
        %rem3A_110 = arith.remsi %sub3A_80, %select_n3A_109 : i32
        %ne3A_111 = arith.constant 0 : i32
        %ne3A_112 = arith.cmpi ne, %rem3A_110, %ne3A_111 : i32
        %lt3A_113 = arith.constant 0 : i32
        %lt3A_114 = arith.cmpi slt, %rem3A_110, %lt3A_113 : i32
        %lt3A_115 = arith.constant 0 : i32
        %lt3A_116 = arith.cmpi slt, %select_n3A_109, %lt3A_115 : i32
        %ne3A_117 = arith.xori %lt3A_114, %lt3A_116 : i1
        %and3A_118 = arith.andi %ne3A_117, %ne3A_112 : i1
        %add3A_119 = arith.addi %rem3A_110, %select_n3A_109 : i32
        %select_n3A_120 = arith.select %and3A_118, %add3A_119, %rem3A_110 : i32
        %dma_wait3A_121 = arith.constant 0 : i32
        %dma_wait3A_122 = arith.constant 28 : i32
        %dma_wait3A_123 = arith.constant 0 : i32
        %dma_wait3A_124 = tpu.memref_slice %arg4[%dma_wait3A_121, %select_n3A_104, %dma_wait3A_122, %select_n3A_120, %dma_wait3A_123] : memref<20x104x32x8x128xf32, #tpu.memory_space<hbm>> -> memref<20x1x2x1x128xf32, #tpu.memory_space<hbm>>
        %dma_wait3A_125 = tpu.memref_squeeze %dma_wait3A_124 : memref<20x1x2x1x128xf32, #tpu.memory_space<hbm>> -> memref<20x2x128xf32, #tpu.memory_space<hbm>>
        %dma_wait3A_126 = arith.constant 0 : i32
        %dma_wait3A_127 = arith.constant 28 : i32
        %dma_wait3A_128 = arith.constant 0 : i32
        %dma_wait3A_129 = tpu.memref_slice %arg4[%dma_wait3A_126, %select_n3A_104, %dma_wait3A_127, %select_n3A_120, %dma_wait3A_128] : memref<20x104x32x8x128xf32, #tpu.memory_space<hbm>> -> memref<20x1x2x1x128xf32, #tpu.memory_space<hbm>>
        %dma_wait3A_130 = tpu.memref_squeeze %dma_wait3A_129 : memref<20x1x2x1x128xf32, #tpu.memory_space<hbm>> -> memref<20x2x128xf32, #tpu.memory_space<hbm>>
        tpu.wait_dma2 semaphore(%arg10 : memref<!tpu.dma_semaphore, #tpu.memory_space<semaphore_mem>>) src(%arg8 : memref<20x2x128xf32, #tpu.memory_space<vmem>>) dst(%dma_wait3A_130 : memref<20x2x128xf32, #tpu.memory_space<hbm>>)
        %jit3A_131 = arith.constant 8 : i32
        %div3A_132 = arith.divsi %sub3A_80, %jit3A_131 : i32
        %sign3A_133 = arith.constant 0 : i32
        %sign3A_134 = arith.cmpi sgt, %sub3A_80, %sign3A_133 : i32
        %sign3A_135 = arith.extui %sign3A_134 : i1 to i32
        %sign3A_136 = arith.constant 0 : i32
        %sign3A_137 = arith.cmpi slt, %sub3A_80, %sign3A_136 : i32
        %sign3A_138 = arith.extui %sign3A_137 : i1 to i32
        %sign3A_139 = arith.subi %sign3A_135, %sign3A_138 : i32
        %sign3A_140 = arith.constant 0 : i32
        %sign3A_141 = arith.cmpi sgt, %jit3A_131, %sign3A_140 : i32
        %sign3A_142 = arith.extui %sign3A_141 : i1 to i32
        %sign3A_143 = arith.constant 0 : i32
        %sign3A_144 = arith.cmpi slt, %jit3A_131, %sign3A_143 : i32
        %sign3A_145 = arith.extui %sign3A_144 : i1 to i32
        %sign3A_146 = arith.subi %sign3A_142, %sign3A_145 : i32
        %ne3A_147 = arith.cmpi ne, %sign3A_139, %sign3A_146 : i32
        %rem3A_148 = arith.remsi %sub3A_80, %jit3A_131 : i32
        %ne3A_149 = arith.constant 0 : i32
        %ne3A_150 = arith.cmpi ne, %rem3A_148, %ne3A_149 : i32
        %and3A_151 = arith.andi %ne3A_147, %ne3A_150 : i1
        %sub3A_152 = arith.constant 1 : i32
        %sub3A_153 = arith.subi %div3A_132, %sub3A_152 : i32
        %select_n3A_154 = arith.select %and3A_151, %sub3A_153, %div3A_132 : i32
        %jit3A_155 = arith.constant 8 : i32
        %eq3A_156 = arith.constant 0 : i32
        %eq3A_157 = arith.cmpi eq, %jit3A_155, %eq3A_156 : i32
        %jit3A_158 = arith.constant 1 : i32
        %select_n3A_159 = arith.select %eq3A_157, %jit3A_158, %jit3A_155 : i32
        %rem3A_160 = arith.remsi %sub3A_80, %select_n3A_159 : i32
        %ne3A_161 = arith.constant 0 : i32
        %ne3A_162 = arith.cmpi ne, %rem3A_160, %ne3A_161 : i32
        %lt3A_163 = arith.constant 0 : i32
        %lt3A_164 = arith.cmpi slt, %rem3A_160, %lt3A_163 : i32
        %lt3A_165 = arith.constant 0 : i32
        %lt3A_166 = arith.cmpi slt, %select_n3A_159, %lt3A_165 : i32
        %ne3A_167 = arith.xori %lt3A_164, %lt3A_166 : i1
        %and3A_168 = arith.andi %ne3A_167, %ne3A_162 : i1
        %add3A_169 = arith.addi %rem3A_160, %select_n3A_159 : i32
        %select_n3A_170 = arith.select %and3A_168, %add3A_169, %rem3A_160 : i32
        %dma_wait3A_171 = arith.constant 0 : i32
        %dma_wait3A_172 = arith.constant 30 : i32
        %dma_wait3A_173 = arith.constant 0 : i32
        %dma_wait3A_174 = tpu.memref_slice %arg4[%dma_wait3A_171, %select_n3A_154, %dma_wait3A_172, %select_n3A_170, %dma_wait3A_173] : memref<20x104x32x8x128xf32, #tpu.memory_space<hbm>> -> memref<20x1x2x1x128xf32, #tpu.memory_space<hbm>>
        %dma_wait3A_175 = tpu.memref_squeeze %dma_wait3A_174 : memref<20x1x2x1x128xf32, #tpu.memory_space<hbm>> -> memref<20x2x128xf32, #tpu.memory_space<hbm>>
        %dma_wait3A_176 = arith.constant 0 : i32
        %dma_wait3A_177 = arith.constant 30 : i32
        %dma_wait3A_178 = arith.constant 0 : i32
        %dma_wait3A_179 = tpu.memref_slice %arg4[%dma_wait3A_176, %select_n3A_154, %dma_wait3A_177, %select_n3A_170, %dma_wait3A_178] : memref<20x104x32x8x128xf32, #tpu.memory_space<hbm>> -> memref<20x1x2x1x128xf32, #tpu.memory_space<hbm>>
        %dma_wait3A_180 = tpu.memref_squeeze %dma_wait3A_179 : memref<20x1x2x1x128xf32, #tpu.memory_space<hbm>> -> memref<20x2x128xf32, #tpu.memory_space<hbm>>
        tpu.wait_dma2 semaphore(%arg11 : memref<!tpu.dma_semaphore, #tpu.memory_space<semaphore_mem>>) src(%arg9 : memref<20x2x128xf32, #tpu.memory_space<vmem>>) dst(%dma_wait3A_180 : memref<20x2x128xf32, #tpu.memory_space<hbm>>)
      } else {
      }
      %dma_wait3A = arith.constant 0 : i32
      %dma_wait3A_63 = tpu.memref_slice %arg3[%select_n3A, %select_n3A_39, %dma_wait3A] : memref<26x32x100000xf32, #tpu.memory_space<hbm>> -> memref<1x1x100000xf32, #tpu.memory_space<hbm>>
      %dma_wait3A_64 = tpu.memref_squeeze %dma_wait3A_63 : memref<1x1x100000xf32, #tpu.memory_space<hbm>> -> memref<100000xf32, #tpu.memory_space<hbm>>
      %dma_wait3A_65 = arith.constant 0 : i32
      %dma_wait3A_66 = tpu.memref_slice %arg3[%select_n3A, %select_n3A_39, %dma_wait3A_65] : memref<26x32x100000xf32, #tpu.memory_space<hbm>> -> memref<1x1x100000xf32, #tpu.memory_space<hbm>>
      %dma_wait3A_67 = tpu.memref_squeeze %dma_wait3A_66 : memref<1x1x100000xf32, #tpu.memory_space<hbm>> -> memref<100000xf32, #tpu.memory_space<hbm>>
      tpu.wait_dma2 semaphore(%arg14 : memref<!tpu.dma_semaphore, #tpu.memory_space<semaphore_mem>>) src(%dma_wait3A_67 : memref<100000xf32, #tpu.memory_space<hbm>>) dst(%arg5 : memref<100000xf32, #tpu.memory_space<vmem>>)
      %scan3A_68 = arith.constant 0 : i32
      %scan3A_69 = arith.constant 0 : i32
      %scan3A_70 = arith.constant 8 : i32
      %scan3A_71 = arith.addi %scan3A_69, %scan3A_70 : i32
      %scan3A_72 = arith.constant 1 : i32
      scf.for %scan3A_79 = %scan3A_69 to %scan3A_71 step %scan3A_72  : i32 {
        %mul3A_80 = arith.constant 2 : i32
        %mul3A_81 = arith.muli %mul3A_80, %scan3A_79 : i32
        %mul3A_82 = arith.constant 256 : i32
        %mul3A_83 = arith.muli %mul3A_81, %mul3A_82 : i32
        %dma_wait3A_84 = arith.constant 0 : i32
        %dma_wait3A_85 = tpu.memref_slice %arg2[%select_n3A, %dma_wait3A_84, %mul3A_83] : memref<26x20x4096xi32, #tpu.memory_space<hbm>> -> memref<1x20x256xi32, #tpu.memory_space<hbm>>
        %dma_wait3A_86 = tpu.memref_squeeze %dma_wait3A_85 : memref<1x20x256xi32, #tpu.memory_space<hbm>> -> memref<20x256xi32, #tpu.memory_space<hbm>>
        %dma_wait3A_87 = arith.constant 0 : i32
        %dma_wait3A_88 = tpu.memref_slice %arg2[%select_n3A, %dma_wait3A_87, %mul3A_83] : memref<26x20x4096xi32, #tpu.memory_space<hbm>> -> memref<1x20x256xi32, #tpu.memory_space<hbm>>
        %dma_wait3A_89 = tpu.memref_squeeze %dma_wait3A_88 : memref<1x20x256xi32, #tpu.memory_space<hbm>> -> memref<20x256xi32, #tpu.memory_space<hbm>>
        tpu.wait_dma2 semaphore(%arg12 : memref<!tpu.dma_semaphore, #tpu.memory_space<semaphore_mem>>) src(%dma_wait3A_89 : memref<20x256xi32, #tpu.memory_space<hbm>>) dst(%arg6 : memref<20x256xi32, #tpu.memory_space<vmem>>)
        %gt3A_90 = arith.constant 0 : i32
        %gt3A_91 = arith.cmpi sgt, %scan3A_79, %gt3A_90 : i32
        %convert_element_type3A_92 = arith.extui %gt3A_91 : i1 to i32
        %cond3A_93 = arith.constant 0 : i32
        %cond3A_94 = arith.cmpi ne, %convert_element_type3A_92, %cond3A_93 : i32
        scf.if %cond3A_94 {
          %sub3A_234 = arith.constant 2 : i32
          %sub3A_235 = arith.subi %mul3A_81, %sub3A_234 : i32
          %jit3A_236 = arith.constant 8 : i32
          %div3A_237 = arith.divsi %add3A_9, %jit3A_236 : i32
          %sign3A_238 = arith.constant 0 : i32
          %sign3A_239 = arith.cmpi sgt, %add3A_9, %sign3A_238 : i32
          %sign3A_240 = arith.extui %sign3A_239 : i1 to i32
          %sign3A_241 = arith.constant 0 : i32
          %sign3A_242 = arith.cmpi slt, %add3A_9, %sign3A_241 : i32
          %sign3A_243 = arith.extui %sign3A_242 : i1 to i32
          %sign3A_244 = arith.subi %sign3A_240, %sign3A_243 : i32
          %sign3A_245 = arith.constant 0 : i32
          %sign3A_246 = arith.cmpi sgt, %jit3A_236, %sign3A_245 : i32
          %sign3A_247 = arith.extui %sign3A_246 : i1 to i32
          %sign3A_248 = arith.constant 0 : i32
          %sign3A_249 = arith.cmpi slt, %jit3A_236, %sign3A_248 : i32
          %sign3A_250 = arith.extui %sign3A_249 : i1 to i32
          %sign3A_251 = arith.subi %sign3A_247, %sign3A_250 : i32
          %ne3A_252 = arith.cmpi ne, %sign3A_244, %sign3A_251 : i32
          %rem3A_253 = arith.remsi %add3A_9, %jit3A_236 : i32
          %ne3A_254 = arith.constant 0 : i32
          %ne3A_255 = arith.cmpi ne, %rem3A_253, %ne3A_254 : i32
          %and3A_256 = arith.andi %ne3A_252, %ne3A_255 : i1
          %sub3A_257 = arith.constant 1 : i32
          %sub3A_258 = arith.subi %div3A_237, %sub3A_257 : i32
          %select_n3A_259 = arith.select %and3A_256, %sub3A_258, %div3A_237 : i32
          %mul3A_260 = arith.constant 2 : i32
          %mul3A_261 = arith.muli %sub3A_235, %mul3A_260 : i32
          %jit3A_262 = arith.constant 8 : i32
          %eq3A_263 = arith.constant 0 : i32
          %eq3A_264 = arith.cmpi eq, %jit3A_262, %eq3A_263 : i32
          %jit3A_265 = arith.constant 1 : i32
          %select_n3A_266 = arith.select %eq3A_264, %jit3A_265, %jit3A_262 : i32
          %rem3A_267 = arith.remsi %add3A_9, %select_n3A_266 : i32
          %ne3A_268 = arith.constant 0 : i32
          %ne3A_269 = arith.cmpi ne, %rem3A_267, %ne3A_268 : i32
          %lt3A_270 = arith.constant 0 : i32
          %lt3A_271 = arith.cmpi slt, %rem3A_267, %lt3A_270 : i32
          %lt3A_272 = arith.constant 0 : i32
          %lt3A_273 = arith.cmpi slt, %select_n3A_266, %lt3A_272 : i32
          %ne3A_274 = arith.xori %lt3A_271, %lt3A_273 : i1
          %and3A_275 = arith.andi %ne3A_274, %ne3A_269 : i1
          %add3A_276 = arith.addi %rem3A_267, %select_n3A_266 : i32
          %select_n3A_277 = arith.select %and3A_275, %add3A_276, %rem3A_267 : i32
          %dma_wait3A_278 = arith.constant 0 : i32
          %dma_wait3A_279 = arith.constant 0 : i32
          %dma_wait3A_280 = tpu.memref_slice %arg4[%dma_wait3A_278, %select_n3A_259, %mul3A_261, %select_n3A_277, %dma_wait3A_279] : memref<20x104x32x8x128xf32, #tpu.memory_space<hbm>> -> memref<20x1x2x1x128xf32, #tpu.memory_space<hbm>>
          %dma_wait3A_281 = tpu.memref_squeeze %dma_wait3A_280 : memref<20x1x2x1x128xf32, #tpu.memory_space<hbm>> -> memref<20x2x128xf32, #tpu.memory_space<hbm>>
          %dma_wait3A_282 = arith.constant 0 : i32
          %dma_wait3A_283 = arith.constant 0 : i32
          %dma_wait3A_284 = tpu.memref_slice %arg4[%dma_wait3A_282, %select_n3A_259, %mul3A_261, %select_n3A_277, %dma_wait3A_283] : memref<20x104x32x8x128xf32, #tpu.memory_space<hbm>> -> memref<20x1x2x1x128xf32, #tpu.memory_space<hbm>>
          %dma_wait3A_285 = tpu.memref_squeeze %dma_wait3A_284 : memref<20x1x2x1x128xf32, #tpu.memory_space<hbm>> -> memref<20x2x128xf32, #tpu.memory_space<hbm>>
          tpu.wait_dma2 semaphore(%arg10 : memref<!tpu.dma_semaphore, #tpu.memory_space<semaphore_mem>>) src(%arg8 : memref<20x2x128xf32, #tpu.memory_space<vmem>>) dst(%dma_wait3A_285 : memref<20x2x128xf32, #tpu.memory_space<hbm>>)
        } else {
        }
        %scan3A_95 = arith.constant 0 : i32
        %scan3A_96 = arith.constant 0 : i32
        %scan3A_97 = arith.constant 20 : i32
        %scan3A_98 = arith.addi %scan3A_96, %scan3A_97 : i32
        %scan3A_99 = arith.constant 1 : i32
        scf.for %scan3A_234 = %scan3A_96 to %scan3A_98 step %scan3A_99  : i32 {
          %get3A = arith.index_cast %scan3A_234 : i32 to index
          %get3A_235 = arith.constant 0 : index
          %get3A_236 = tpu.vector_load %arg6[%get3A, %get3A_235] {strides = array<i32>} : memref<20x256xi32, #tpu.memory_space<vmem>>, vector<16xi32>,
          %gather3A = tpu.vector_load_idx %arg5[%get3A_236] : memref<100000xf32, #tpu.memory_space<vmem>>[vector<16xi32>], vector<16xf32>,
          %swap3A = arith.constant 0 : i32
          %swap3A_237 = arith.index_cast %scan3A_234 : i32 to index
          %swap3A_238 = arith.index_cast %swap3A : i32 to index
          %swap3A_239 = arith.constant 0 : index
          %swap3A_240 = tpu.vector_load %arg8[%swap3A_237, %swap3A_238, %swap3A_239] {strides = array<i32>} : memref<20x2x128xf32, #tpu.memory_space<vmem>>, vector<16xf32>,
          tpu.vector_store %arg8[%swap3A_237, %swap3A_238, %swap3A_239], %gather3A {strides = array<i32>} : memref<20x2x128xf32, #tpu.memory_space<vmem>>, vector<16xf32>,
          %get3A_241 = arith.index_cast %scan3A_234 : i32 to index
          %get3A_242 = arith.constant 16 : index
          %get3A_243 = tpu.vector_load %arg6[%get3A_241, %get3A_242] {strides = array<i32>} : memref<20x256xi32, #tpu.memory_space<vmem>>, vector<16xi32>,
          %gather3A_244 = tpu.vector_load_idx %arg5[%get3A_243] : memref<100000xf32, #tpu.memory_space<vmem>>[vector<16xi32>], vector<16xf32>,
          %swap3A_245 = arith.constant 0 : i32
          %swap3A_246 = arith.index_cast %scan3A_234 : i32 to index
          %swap3A_247 = arith.index_cast %swap3A_245 : i32 to index
          %swap3A_248 = arith.constant 16 : index
          %swap3A_249 = tpu.vector_load %arg8[%swap3A_246, %swap3A_247, %swap3A_248] {strides = array<i32>} : memref<20x2x128xf32, #tpu.memory_space<vmem>>, vector<16xf32>,
          tpu.vector_store %arg8[%swap3A_246, %swap3A_247, %swap3A_248], %gather3A_244 {strides = array<i32>} : memref<20x2x128xf32, #tpu.memory_space<vmem>>, vector<16xf32>,
          %get3A_250 = arith.index_cast %scan3A_234 : i32 to index
          %get3A_251 = arith.constant 32 : index
          %get3A_252 = tpu.vector_load %arg6[%get3A_250, %get3A_251] {strides = array<i32>} : memref<20x256xi32, #tpu.memory_space<vmem>>, vector<16xi32>,
          %gather3A_253 = tpu.vector_load_idx %arg5[%get3A_252] : memref<100000xf32, #tpu.memory_space<vmem>>[vector<16xi32>], vector<16xf32>,
          %swap3A_254 = arith.constant 0 : i32
          %swap3A_255 = arith.index_cast %scan3A_234 : i32 to index
          %swap3A_256 = arith.index_cast %swap3A_254 : i32 to index
          %swap3A_257 = arith.constant 32 : index
          %swap3A_258 = tpu.vector_load %arg8[%swap3A_255, %swap3A_256, %swap3A_257] {strides = array<i32>} : memref<20x2x128xf32, #tpu.memory_space<vmem>>, vector<16xf32>,
          tpu.vector_store %arg8[%swap3A_255, %swap3A_256, %swap3A_257], %gather3A_253 {strides = array<i32>} : memref<20x2x128xf32, #tpu.memory_space<vmem>>, vector<16xf32>,
          %get3A_259 = arith.index_cast %scan3A_234 : i32 to index
          %get3A_260 = arith.constant 48 : index
          %get3A_261 = tpu.vector_load %arg6[%get3A_259, %get3A_260] {strides = array<i32>} : memref<20x256xi32, #tpu.memory_space<vmem>>, vector<16xi32>,
          %gather3A_262 = tpu.vector_load_idx %arg5[%get3A_261] : memref<100000xf32, #tpu.memory_space<vmem>>[vector<16xi32>], vector<16xf32>,
          %swap3A_263 = arith.constant 0 : i32
          %swap3A_264 = arith.index_cast %scan3A_234 : i32 to index
          %swap3A_265 = arith.index_cast %swap3A_263 : i32 to index
          %swap3A_266 = arith.constant 48 : index
          %swap3A_267 = tpu.vector_load %arg8[%swap3A_264, %swap3A_265, %swap3A_266] {strides = array<i32>} : memref<20x2x128xf32, #tpu.memory_space<vmem>>, vector<16xf32>,
          tpu.vector_store %arg8[%swap3A_264, %swap3A_265, %swap3A_266], %gather3A_262 {strides = array<i32>} : memref<20x2x128xf32, #tpu.memory_space<vmem>>, vector<16xf32>,
          %get3A_268 = arith.index_cast %scan3A_234 : i32 to index
          %get3A_269 = arith.constant 64 : index
          %get3A_270 = tpu.vector_load %arg6[%get3A_268, %get3A_269] {strides = array<i32>} : memref<20x256xi32, #tpu.memory_space<vmem>>, vector<16xi32>,
          %gather3A_271 = tpu.vector_load_idx %arg5[%get3A_270] : memref<100000xf32, #tpu.memory_space<vmem>>[vector<16xi32>], vector<16xf32>,
          %swap3A_272 = arith.constant 0 : i32
          %swap3A_273 = arith.index_cast %scan3A_234 : i32 to index
          %swap3A_274 = arith.index_cast %swap3A_272 : i32 to index
          %swap3A_275 = arith.constant 64 : index
          %swap3A_276 = tpu.vector_load %arg8[%swap3A_273, %swap3A_274, %swap3A_275] {strides = array<i32>} : memref<20x2x128xf32, #tpu.memory_space<vmem>>, vector<16xf32>,
          tpu.vector_store %arg8[%swap3A_273, %swap3A_274, %swap3A_275], %gather3A_271 {strides = array<i32>} : memref<20x2x128xf32, #tpu.memory_space<vmem>>, vector<16xf32>,
          %get3A_277 = arith.index_cast %scan3A_234 : i32 to index
          %get3A_278 = arith.constant 80 : index
          %get3A_279 = tpu.vector_load %arg6[%get3A_277, %get3A_278] {strides = array<i32>} : memref<20x256xi32, #tpu.memory_space<vmem>>, vector<16xi32>,
          %gather3A_280 = tpu.vector_load_idx %arg5[%get3A_279] : memref<100000xf32, #tpu.memory_space<vmem>>[vector<16xi32>], vector<16xf32>,
          %swap3A_281 = arith.constant 0 : i32
          %swap3A_282 = arith.index_cast %scan3A_234 : i32 to index
          %swap3A_283 = arith.index_cast %swap3A_281 : i32 to index
          %swap3A_284 = arith.constant 80 : index
          %swap3A_285 = tpu.vector_load %arg8[%swap3A_282, %swap3A_283, %swap3A_284] {strides = array<i32>} : memref<20x2x128xf32, #tpu.memory_space<vmem>>, vector<16xf32>,
          tpu.vector_store %arg8[%swap3A_282, %swap3A_283, %swap3A_284], %gather3A_280 {strides = array<i32>} : memref<20x2x128xf32, #tpu.memory_space<vmem>>, vector<16xf32>,
          %get3A_286 = arith.index_cast %scan3A_234 : i32 to index
          %get3A_287 = arith.constant 96 : index
          %get3A_288 = tpu.vector_load %arg6[%get3A_286, %get3A_287] {strides = array<i32>} : memref<20x256xi32, #tpu.memory_space<vmem>>, vector<16xi32>,
          %gather3A_289 = tpu.vector_load_idx %arg5[%get3A_288] : memref<100000xf32, #tpu.memory_space<vmem>>[vector<16xi32>], vector<16xf32>,
          %swap3A_290 = arith.constant 0 : i32
          %swap3A_291 = arith.index_cast %scan3A_234 : i32 to index
          %swap3A_292 = arith.index_cast %swap3A_290 : i32 to index
          %swap3A_293 = arith.constant 96 : index
          %swap3A_294 = tpu.vector_load %arg8[%swap3A_291, %swap3A_292, %swap3A_293] {strides = array<i32>} : memref<20x2x128xf32, #tpu.memory_space<vmem>>, vector<16xf32>,
          tpu.vector_store %arg8[%swap3A_291, %swap3A_292, %swap3A_293], %gather3A_289 {strides = array<i32>} : memref<20x2x128xf32, #tpu.memory_space<vmem>>, vector<16xf32>,
          %get3A_295 = arith.index_cast %scan3A_234 : i32 to index
          %get3A_296 = arith.constant 112 : index
          %get3A_297 = tpu.vector_load %arg6[%get3A_295, %get3A_296] {strides = array<i32>} : memref<20x256xi32, #tpu.memory_space<vmem>>, vector<16xi32>,
          %gather3A_298 = tpu.vector_load_idx %arg5[%get3A_297] : memref<100000xf32, #tpu.memory_space<vmem>>[vector<16xi32>], vector<16xf32>,
          %swap3A_299 = arith.constant 0 : i32
          %swap3A_300 = arith.index_cast %scan3A_234 : i32 to index
          %swap3A_301 = arith.index_cast %swap3A_299 : i32 to index
          %swap3A_302 = arith.constant 112 : index
          %swap3A_303 = tpu.vector_load %arg8[%swap3A_300, %swap3A_301, %swap3A_302] {strides = array<i32>} : memref<20x2x128xf32, #tpu.memory_space<vmem>>, vector<16xf32>,
          tpu.vector_store %arg8[%swap3A_300, %swap3A_301, %swap3A_302], %gather3A_298 {strides = array<i32>} : memref<20x2x128xf32, #tpu.memory_space<vmem>>, vector<16xf32>,
          %get3A_304 = arith.index_cast %scan3A_234 : i32 to index
          %get3A_305 = arith.constant 128 : index
          %get3A_306 = tpu.vector_load %arg6[%get3A_304, %get3A_305] {strides = array<i32>} : memref<20x256xi32, #tpu.memory_space<vmem>>, vector<16xi32>,
          %gather3A_307 = tpu.vector_load_idx %arg5[%get3A_306] : memref<100000xf32, #tpu.memory_space<vmem>>[vector<16xi32>], vector<16xf32>,
          %swap3A_308 = arith.constant 1 : i32
          %swap3A_309 = arith.index_cast %scan3A_234 : i32 to index
          %swap3A_310 = arith.index_cast %swap3A_308 : i32 to index
          %swap3A_311 = arith.constant 0 : index
          %swap3A_312 = tpu.vector_load %arg8[%swap3A_309, %swap3A_310, %swap3A_311] {strides = array<i32>} : memref<20x2x128xf32, #tpu.memory_space<vmem>>, vector<16xf32>,
          tpu.vector_store %arg8[%swap3A_309, %swap3A_310, %swap3A_311], %gather3A_307 {strides = array<i32>} : memref<20x2x128xf32, #tpu.memory_space<vmem>>, vector<16xf32>,
          %get3A_313 = arith.index_cast %scan3A_234 : i32 to index
          %get3A_314 = arith.constant 144 : index
          %get3A_315 = tpu.vector_load %arg6[%get3A_313, %get3A_314] {strides = array<i32>} : memref<20x256xi32, #tpu.memory_space<vmem>>, vector<16xi32>,
          %gather3A_316 = tpu.vector_load_idx %arg5[%get3A_315] : memref<100000xf32, #tpu.memory_space<vmem>>[vector<16xi32>], vector<16xf32>,
          %swap3A_317 = arith.constant 1 : i32
          %swap3A_318 = arith.index_cast %scan3A_234 : i32 to index
          %swap3A_319 = arith.index_cast %swap3A_317 : i32 to index
          %swap3A_320 = arith.constant 16 : index
          %swap3A_321 = tpu.vector_load %arg8[%swap3A_318, %swap3A_319, %swap3A_320] {strides = array<i32>} : memref<20x2x128xf32, #tpu.memory_space<vmem>>, vector<16xf32>,
          tpu.vector_store %arg8[%swap3A_318, %swap3A_319, %swap3A_320], %gather3A_316 {strides = array<i32>} : memref<20x2x128xf32, #tpu.memory_space<vmem>>, vector<16xf32>,
          %get3A_322 = arith.index_cast %scan3A_234 : i32 to index
          %get3A_323 = arith.constant 160 : index
          %get3A_324 = tpu.vector_load %arg6[%get3A_322, %get3A_323] {strides = array<i32>} : memref<20x256xi32, #tpu.memory_space<vmem>>, vector<16xi32>,
          %gather3A_325 = tpu.vector_load_idx %arg5[%get3A_324] : memref<100000xf32, #tpu.memory_space<vmem>>[vector<16xi32>], vector<16xf32>,
          %swap3A_326 = arith.constant 1 : i32
          %swap3A_327 = arith.index_cast %scan3A_234 : i32 to index
          %swap3A_328 = arith.index_cast %swap3A_326 : i32 to index
          %swap3A_329 = arith.constant 32 : index
          %swap3A_330 = tpu.vector_load %arg8[%swap3A_327, %swap3A_328, %swap3A_329] {strides = array<i32>} : memref<20x2x128xf32, #tpu.memory_space<vmem>>, vector<16xf32>,
          tpu.vector_store %arg8[%swap3A_327, %swap3A_328, %swap3A_329], %gather3A_325 {strides = array<i32>} : memref<20x2x128xf32, #tpu.memory_space<vmem>>, vector<16xf32>,
          %get3A_331 = arith.index_cast %scan3A_234 : i32 to index
          %get3A_332 = arith.constant 176 : index
          %get3A_333 = tpu.vector_load %arg6[%get3A_331, %get3A_332] {strides = array<i32>} : memref<20x256xi32, #tpu.memory_space<vmem>>, vector<16xi32>,
          %gather3A_334 = tpu.vector_load_idx %arg5[%get3A_333] : memref<100000xf32, #tpu.memory_space<vmem>>[vector<16xi32>], vector<16xf32>,
          %swap3A_335 = arith.constant 1 : i32
          %swap3A_336 = arith.index_cast %scan3A_234 : i32 to index
          %swap3A_337 = arith.index_cast %swap3A_335 : i32 to index
          %swap3A_338 = arith.constant 48 : index
          %swap3A_339 = tpu.vector_load %arg8[%swap3A_336, %swap3A_337, %swap3A_338] {strides = array<i32>} : memref<20x2x128xf32, #tpu.memory_space<vmem>>, vector<16xf32>,
          tpu.vector_store %arg8[%swap3A_336, %swap3A_337, %swap3A_338], %gather3A_334 {strides = array<i32>} : memref<20x2x128xf32, #tpu.memory_space<vmem>>, vector<16xf32>,
          %get3A_340 = arith.index_cast %scan3A_234 : i32 to index
          %get3A_341 = arith.constant 192 : index
          %get3A_342 = tpu.vector_load %arg6[%get3A_340, %get3A_341] {strides = array<i32>} : memref<20x256xi32, #tpu.memory_space<vmem>>, vector<16xi32>,
          %gather3A_343 = tpu.vector_load_idx %arg5[%get3A_342] : memref<100000xf32, #tpu.memory_space<vmem>>[vector<16xi32>], vector<16xf32>,
          %swap3A_344 = arith.constant 1 : i32
          %swap3A_345 = arith.index_cast %scan3A_234 : i32 to index
          %swap3A_346 = arith.index_cast %swap3A_344 : i32 to index
          %swap3A_347 = arith.constant 64 : index
          %swap3A_348 = tpu.vector_load %arg8[%swap3A_345, %swap3A_346, %swap3A_347] {strides = array<i32>} : memref<20x2x128xf32, #tpu.memory_space<vmem>>, vector<16xf32>,
          tpu.vector_store %arg8[%swap3A_345, %swap3A_346, %swap3A_347], %gather3A_343 {strides = array<i32>} : memref<20x2x128xf32, #tpu.memory_space<vmem>>, vector<16xf32>,
          %get3A_349 = arith.index_cast %scan3A_234 : i32 to index
          %get3A_350 = arith.constant 208 : index
          %get3A_351 = tpu.vector_load %arg6[%get3A_349, %get3A_350] {strides = array<i32>} : memref<20x256xi32, #tpu.memory_space<vmem>>, vector<16xi32>,
          %gather3A_352 = tpu.vector_load_idx %arg5[%get3A_351] : memref<100000xf32, #tpu.memory_space<vmem>>[vector<16xi32>], vector<16xf32>,
          %swap3A_353 = arith.constant 1 : i32
          %swap3A_354 = arith.index_cast %scan3A_234 : i32 to index
          %swap3A_355 = arith.index_cast %swap3A_353 : i32 to index
          %swap3A_356 = arith.constant 80 : index
          %swap3A_357 = tpu.vector_load %arg8[%swap3A_354, %swap3A_355, %swap3A_356] {strides = array<i32>} : memref<20x2x128xf32, #tpu.memory_space<vmem>>, vector<16xf32>,
          tpu.vector_store %arg8[%swap3A_354, %swap3A_355, %swap3A_356], %gather3A_352 {strides = array<i32>} : memref<20x2x128xf32, #tpu.memory_space<vmem>>, vector<16xf32>,
          %get3A_358 = arith.index_cast %scan3A_234 : i32 to index
          %get3A_359 = arith.constant 224 : index
          %get3A_360 = tpu.vector_load %arg6[%get3A_358, %get3A_359] {strides = array<i32>} : memref<20x256xi32, #tpu.memory_space<vmem>>, vector<16xi32>,
          %gather3A_361 = tpu.vector_load_idx %arg5[%get3A_360] : memref<100000xf32, #tpu.memory_space<vmem>>[vector<16xi32>], vector<16xf32>,
          %swap3A_362 = arith.constant 1 : i32
          %swap3A_363 = arith.index_cast %scan3A_234 : i32 to index
          %swap3A_364 = arith.index_cast %swap3A_362 : i32 to index
          %swap3A_365 = arith.constant 96 : index
          %swap3A_366 = tpu.vector_load %arg8[%swap3A_363, %swap3A_364, %swap3A_365] {strides = array<i32>} : memref<20x2x128xf32, #tpu.memory_space<vmem>>, vector<16xf32>,
          tpu.vector_store %arg8[%swap3A_363, %swap3A_364, %swap3A_365], %gather3A_361 {strides = array<i32>} : memref<20x2x128xf32, #tpu.memory_space<vmem>>, vector<16xf32>,
          %get3A_367 = arith.index_cast %scan3A_234 : i32 to index
          %get3A_368 = arith.constant 240 : index
          %get3A_369 = tpu.vector_load %arg6[%get3A_367, %get3A_368] {strides = array<i32>} : memref<20x256xi32, #tpu.memory_space<vmem>>, vector<16xi32>,
          %gather3A_370 = tpu.vector_load_idx %arg5[%get3A_369] : memref<100000xf32, #tpu.memory_space<vmem>>[vector<16xi32>], vector<16xf32>,
          %swap3A_371 = arith.constant 1 : i32
          %swap3A_372 = arith.index_cast %scan3A_234 : i32 to index
          %swap3A_373 = arith.index_cast %swap3A_371 : i32 to index
          %swap3A_374 = arith.constant 112 : index
          %swap3A_375 = tpu.vector_load %arg8[%swap3A_372, %swap3A_373, %swap3A_374] {strides = array<i32>} : memref<20x2x128xf32, #tpu.memory_space<vmem>>, vector<16xf32>,
          tpu.vector_store %arg8[%swap3A_372, %swap3A_373, %swap3A_374], %gather3A_370 {strides = array<i32>} : memref<20x2x128xf32, #tpu.memory_space<vmem>>, vector<16xf32>,
        }
        %scan3A_100 = arith.constant 20 : i32
        %jit3A_101 = arith.constant 8 : i32
        %div3A_102 = arith.divsi %add3A_9, %jit3A_101 : i32
        %sign3A_103 = arith.constant 0 : i32
        %sign3A_104 = arith.cmpi sgt, %add3A_9, %sign3A_103 : i32
        %sign3A_105 = arith.extui %sign3A_104 : i1 to i32
        %sign3A_106 = arith.constant 0 : i32
        %sign3A_107 = arith.cmpi slt, %add3A_9, %sign3A_106 : i32
        %sign3A_108 = arith.extui %sign3A_107 : i1 to i32
        %sign3A_109 = arith.subi %sign3A_105, %sign3A_108 : i32
        %sign3A_110 = arith.constant 0 : i32
        %sign3A_111 = arith.cmpi sgt, %jit3A_101, %sign3A_110 : i32
        %sign3A_112 = arith.extui %sign3A_111 : i1 to i32
        %sign3A_113 = arith.constant 0 : i32
        %sign3A_114 = arith.cmpi slt, %jit3A_101, %sign3A_113 : i32
        %sign3A_115 = arith.extui %sign3A_114 : i1 to i32
        %sign3A_116 = arith.subi %sign3A_112, %sign3A_115 : i32
        %ne3A_117 = arith.cmpi ne, %sign3A_109, %sign3A_116 : i32
        %rem3A_118 = arith.remsi %add3A_9, %jit3A_101 : i32
        %ne3A_119 = arith.constant 0 : i32
        %ne3A_120 = arith.cmpi ne, %rem3A_118, %ne3A_119 : i32
        %and3A_121 = arith.andi %ne3A_117, %ne3A_120 : i1
        %sub3A_122 = arith.constant 1 : i32
        %sub3A_123 = arith.subi %div3A_102, %sub3A_122 : i32
        %select_n3A_124 = arith.select %and3A_121, %sub3A_123, %div3A_102 : i32
        %mul3A_125 = arith.constant 2 : i32
        %mul3A_126 = arith.muli %mul3A_81, %mul3A_125 : i32
        %jit3A_127 = arith.constant 8 : i32
        %eq3A_128 = arith.constant 0 : i32
        %eq3A_129 = arith.cmpi eq, %jit3A_127, %eq3A_128 : i32
        %jit3A_130 = arith.constant 1 : i32
        %select_n3A_131 = arith.select %eq3A_129, %jit3A_130, %jit3A_127 : i32
        %rem3A_132 = arith.remsi %add3A_9, %select_n3A_131 : i32
        %ne3A_133 = arith.constant 0 : i32
        %ne3A_134 = arith.cmpi ne, %rem3A_132, %ne3A_133 : i32
        %lt3A_135 = arith.constant 0 : i32
        %lt3A_136 = arith.cmpi slt, %rem3A_132, %lt3A_135 : i32
        %lt3A_137 = arith.constant 0 : i32
        %lt3A_138 = arith.cmpi slt, %select_n3A_131, %lt3A_137 : i32
        %ne3A_139 = arith.xori %lt3A_136, %lt3A_138 : i1
        %and3A_140 = arith.andi %ne3A_139, %ne3A_134 : i1
        %add3A_141 = arith.addi %rem3A_132, %select_n3A_131 : i32
        %select_n3A_142 = arith.select %and3A_140, %add3A_141, %rem3A_132 : i32
        %dma_start3A_143 = arith.constant 0 : i32
        %dma_start3A_144 = arith.constant 0 : i32
        %dma_start3A_145 = tpu.memref_slice %arg4[%dma_start3A_143, %select_n3A_124, %mul3A_126, %select_n3A_142, %dma_start3A_144] : memref<20x104x32x8x128xf32, #tpu.memory_space<hbm>> -> memref<20x1x2x1x128xf32, #tpu.memory_space<hbm>>
        %dma_start3A_146 = tpu.memref_squeeze %dma_start3A_145 : memref<20x1x2x1x128xf32, #tpu.memory_space<hbm>> -> memref<20x2x128xf32, #tpu.memory_space<hbm>>
        %dma_start3A_147 = arith.constant 0 : i32
        %dma_start3A_148 = arith.constant 0 : i32
        %dma_start3A_149 = tpu.memref_slice %arg4[%dma_start3A_147, %select_n3A_124, %mul3A_126, %select_n3A_142, %dma_start3A_148] : memref<20x104x32x8x128xf32, #tpu.memory_space<hbm>> -> memref<20x1x2x1x128xf32, #tpu.memory_space<hbm>>
        %dma_start3A_150 = tpu.memref_squeeze %dma_start3A_149 : memref<20x1x2x1x128xf32, #tpu.memory_space<hbm>> -> memref<20x2x128xf32, #tpu.memory_space<hbm>>
        tpu.enqueue_dma source(%arg8 : memref<20x2x128xf32, #tpu.memory_space<vmem>>) target(%dma_start3A_150 : memref<20x2x128xf32, #tpu.memory_space<hbm>>) target_semaphore(%arg10 : memref<!tpu.dma_semaphore, #tpu.memory_space<semaphore_mem>>)
        %lt3A_151 = arith.constant 7 : i32
        %lt3A_152 = arith.cmpi slt, %scan3A_79, %lt3A_151 : i32
        %convert_element_type3A_153 = arith.extui %lt3A_152 : i1 to i32
        %cond3A_154 = arith.constant 0 : i32
        %cond3A_155 = arith.cmpi ne, %convert_element_type3A_153, %cond3A_154 : i32
        scf.if %cond3A_155 {
          %add3A_234 = arith.constant 2 : i32
          %add3A_235 = arith.addi %mul3A_81, %add3A_234 : i32
          %mul3A_236 = arith.constant 256 : i32
          %mul3A_237 = arith.muli %add3A_235, %mul3A_236 : i32
          %dma_start3A_238 = arith.constant 0 : i32
          %dma_start3A_239 = tpu.memref_slice %arg2[%select_n3A, %dma_start3A_238, %mul3A_237] : memref<26x20x4096xi32, #tpu.memory_space<hbm>> -> memref<1x20x256xi32, #tpu.memory_space<hbm>>
          %dma_start3A_240 = tpu.memref_squeeze %dma_start3A_239 : memref<1x20x256xi32, #tpu.memory_space<hbm>> -> memref<20x256xi32, #tpu.memory_space<hbm>>
          %dma_start3A_241 = arith.constant 0 : i32
          %dma_start3A_242 = tpu.memref_slice %arg2[%select_n3A, %dma_start3A_241, %mul3A_237] : memref<26x20x4096xi32, #tpu.memory_space<hbm>> -> memref<1x20x256xi32, #tpu.memory_space<hbm>>
          %dma_start3A_243 = tpu.memref_squeeze %dma_start3A_242 : memref<1x20x256xi32, #tpu.memory_space<hbm>> -> memref<20x256xi32, #tpu.memory_space<hbm>>
          tpu.enqueue_dma source(%dma_start3A_243 : memref<20x256xi32, #tpu.memory_space<hbm>>) target(%arg6 : memref<20x256xi32, #tpu.memory_space<vmem>>) target_semaphore(%arg12 : memref<!tpu.dma_semaphore, #tpu.memory_space<semaphore_mem>>)
        } else {
        }
        %add3A_156 = arith.constant 1 : i32
        %add3A_157 = arith.addi %mul3A_81, %add3A_156 : i32
        %mul3A_158 = arith.constant 256 : i32
        %mul3A_159 = arith.muli %add3A_157, %mul3A_158 : i32
        %dma_wait3A_160 = arith.constant 0 : i32
        %dma_wait3A_161 = tpu.memref_slice %arg2[%select_n3A, %dma_wait3A_160, %mul3A_159] : memref<26x20x4096xi32, #tpu.memory_space<hbm>> -> memref<1x20x256xi32, #tpu.memory_space<hbm>>
        %dma_wait3A_162 = tpu.memref_squeeze %dma_wait3A_161 : memref<1x20x256xi32, #tpu.memory_space<hbm>> -> memref<20x256xi32, #tpu.memory_space<hbm>>
        %dma_wait3A_163 = arith.constant 0 : i32
        %dma_wait3A_164 = tpu.memref_slice %arg2[%select_n3A, %dma_wait3A_163, %mul3A_159] : memref<26x20x4096xi32, #tpu.memory_space<hbm>> -> memref<1x20x256xi32, #tpu.memory_space<hbm>>
        %dma_wait3A_165 = tpu.memref_squeeze %dma_wait3A_164 : memref<1x20x256xi32, #tpu.memory_space<hbm>> -> memref<20x256xi32, #tpu.memory_space<hbm>>
        tpu.wait_dma2 semaphore(%arg13 : memref<!tpu.dma_semaphore, #tpu.memory_space<semaphore_mem>>) src(%dma_wait3A_165 : memref<20x256xi32, #tpu.memory_space<hbm>>) dst(%arg7 : memref<20x256xi32, #tpu.memory_space<vmem>>)
        %gt3A_166 = arith.constant 0 : i32
        %gt3A_167 = arith.cmpi sgt, %scan3A_79, %gt3A_166 : i32
        %convert_element_type3A_168 = arith.extui %gt3A_167 : i1 to i32
        %cond3A_169 = arith.constant 0 : i32
        %cond3A_170 = arith.cmpi ne, %convert_element_type3A_168, %cond3A_169 : i32
        scf.if %cond3A_170 {
          %sub3A_234 = arith.constant 1 : i32
          %sub3A_235 = arith.subi %mul3A_81, %sub3A_234 : i32
          %jit3A_236 = arith.constant 8 : i32
          %div3A_237 = arith.divsi %add3A_9, %jit3A_236 : i32
          %sign3A_238 = arith.constant 0 : i32
          %sign3A_239 = arith.cmpi sgt, %add3A_9, %sign3A_238 : i32
          %sign3A_240 = arith.extui %sign3A_239 : i1 to i32
          %sign3A_241 = arith.constant 0 : i32
          %sign3A_242 = arith.cmpi slt, %add3A_9, %sign3A_241 : i32
          %sign3A_243 = arith.extui %sign3A_242 : i1 to i32
          %sign3A_244 = arith.subi %sign3A_240, %sign3A_243 : i32
          %sign3A_245 = arith.constant 0 : i32
          %sign3A_246 = arith.cmpi sgt, %jit3A_236, %sign3A_245 : i32
          %sign3A_247 = arith.extui %sign3A_246 : i1 to i32
          %sign3A_248 = arith.constant 0 : i32
          %sign3A_249 = arith.cmpi slt, %jit3A_236, %sign3A_248 : i32
          %sign3A_250 = arith.extui %sign3A_249 : i1 to i32
          %sign3A_251 = arith.subi %sign3A_247, %sign3A_250 : i32
          %ne3A_252 = arith.cmpi ne, %sign3A_244, %sign3A_251 : i32
          %rem3A_253 = arith.remsi %add3A_9, %jit3A_236 : i32
          %ne3A_254 = arith.constant 0 : i32
          %ne3A_255 = arith.cmpi ne, %rem3A_253, %ne3A_254 : i32
          %and3A_256 = arith.andi %ne3A_252, %ne3A_255 : i1
          %sub3A_257 = arith.constant 1 : i32
          %sub3A_258 = arith.subi %div3A_237, %sub3A_257 : i32
          %select_n3A_259 = arith.select %and3A_256, %sub3A_258, %div3A_237 : i32
          %mul3A_260 = arith.constant 2 : i32
          %mul3A_261 = arith.muli %sub3A_235, %mul3A_260 : i32
          %jit3A_262 = arith.constant 8 : i32
          %eq3A_263 = arith.constant 0 : i32
          %eq3A_264 = arith.cmpi eq, %jit3A_262, %eq3A_263 : i32
          %jit3A_265 = arith.constant 1 : i32
          %select_n3A_266 = arith.select %eq3A_264, %jit3A_265, %jit3A_262 : i32
          %rem3A_267 = arith.remsi %add3A_9, %select_n3A_266 : i32
          %ne3A_268 = arith.constant 0 : i32
          %ne3A_269 = arith.cmpi ne, %rem3A_267, %ne3A_268 : i32
          %lt3A_270 = arith.constant 0 : i32
          %lt3A_271 = arith.cmpi slt, %rem3A_267, %lt3A_270 : i32
          %lt3A_272 = arith.constant 0 : i32
          %lt3A_273 = arith.cmpi slt, %select_n3A_266, %lt3A_272 : i32
          %ne3A_274 = arith.xori %lt3A_271, %lt3A_273 : i1
          %and3A_275 = arith.andi %ne3A_274, %ne3A_269 : i1
          %add3A_276 = arith.addi %rem3A_267, %select_n3A_266 : i32
          %select_n3A_277 = arith.select %and3A_275, %add3A_276, %rem3A_267 : i32
          %dma_wait3A_278 = arith.constant 0 : i32
          %dma_wait3A_279 = arith.constant 0 : i32
          %dma_wait3A_280 = tpu.memref_slice %arg4[%dma_wait3A_278, %select_n3A_259, %mul3A_261, %select_n3A_277, %dma_wait3A_279] : memref<20x104x32x8x128xf32, #tpu.memory_space<hbm>> -> memref<20x1x2x1x128xf32, #tpu.memory_space<hbm>>
          %dma_wait3A_281 = tpu.memref_squeeze %dma_wait3A_280 : memref<20x1x2x1x128xf32, #tpu.memory_space<hbm>> -> memref<20x2x128xf32, #tpu.memory_space<hbm>>
          %dma_wait3A_282 = arith.constant 0 : i32
          %dma_wait3A_283 = arith.constant 0 : i32
          %dma_wait3A_284 = tpu.memref_slice %arg4[%dma_wait3A_282, %select_n3A_259, %mul3A_261, %select_n3A_277, %dma_wait3A_283] : memref<20x104x32x8x128xf32, #tpu.memory_space<hbm>> -> memref<20x1x2x1x128xf32, #tpu.memory_space<hbm>>
          %dma_wait3A_285 = tpu.memref_squeeze %dma_wait3A_284 : memref<20x1x2x1x128xf32, #tpu.memory_space<hbm>> -> memref<20x2x128xf32, #tpu.memory_space<hbm>>
          tpu.wait_dma2 semaphore(%arg11 : memref<!tpu.dma_semaphore, #tpu.memory_space<semaphore_mem>>) src(%arg9 : memref<20x2x128xf32, #tpu.memory_space<vmem>>) dst(%dma_wait3A_285 : memref<20x2x128xf32, #tpu.memory_space<hbm>>)
        } else {
        }
        %scan3A_171 = arith.constant 0 : i32
        %scan3A_172 = arith.constant 0 : i32
        %scan3A_173 = arith.constant 20 : i32
        %scan3A_174 = arith.addi %scan3A_172, %scan3A_173 : i32
        %scan3A_175 = arith.constant 1 : i32
        scf.for %scan3A_234 = %scan3A_172 to %scan3A_174 step %scan3A_175  : i32 {
          %get3A = arith.index_cast %scan3A_234 : i32 to index
          %get3A_235 = arith.constant 0 : index
          %get3A_236 = tpu.vector_load %arg7[%get3A, %get3A_235] {strides = array<i32>} : memref<20x256xi32, #tpu.memory_space<vmem>>, vector<16xi32>,
          %gather3A = tpu.vector_load_idx %arg5[%get3A_236] : memref<100000xf32, #tpu.memory_space<vmem>>[vector<16xi32>], vector<16xf32>,
          %swap3A = arith.constant 0 : i32
          %swap3A_237 = arith.index_cast %scan3A_234 : i32 to index
          %swap3A_238 = arith.index_cast %swap3A : i32 to index
          %swap3A_239 = arith.constant 0 : index
          %swap3A_240 = tpu.vector_load %arg9[%swap3A_237, %swap3A_238, %swap3A_239] {strides = array<i32>} : memref<20x2x128xf32, #tpu.memory_space<vmem>>, vector<16xf32>,
          tpu.vector_store %arg9[%swap3A_237, %swap3A_238, %swap3A_239], %gather3A {strides = array<i32>} : memref<20x2x128xf32, #tpu.memory_space<vmem>>, vector<16xf32>,
          %get3A_241 = arith.index_cast %scan3A_234 : i32 to index
          %get3A_242 = arith.constant 16 : index
          %get3A_243 = tpu.vector_load %arg7[%get3A_241, %get3A_242] {strides = array<i32>} : memref<20x256xi32, #tpu.memory_space<vmem>>, vector<16xi32>,
          %gather3A_244 = tpu.vector_load_idx %arg5[%get3A_243] : memref<100000xf32, #tpu.memory_space<vmem>>[vector<16xi32>], vector<16xf32>,
          %swap3A_245 = arith.constant 0 : i32
          %swap3A_246 = arith.index_cast %scan3A_234 : i32 to index
          %swap3A_247 = arith.index_cast %swap3A_245 : i32 to index
          %swap3A_248 = arith.constant 16 : index
          %swap3A_249 = tpu.vector_load %arg9[%swap3A_246, %swap3A_247, %swap3A_248] {strides = array<i32>} : memref<20x2x128xf32, #tpu.memory_space<vmem>>, vector<16xf32>,
          tpu.vector_store %arg9[%swap3A_246, %swap3A_247, %swap3A_248], %gather3A_244 {strides = array<i32>} : memref<20x2x128xf32, #tpu.memory_space<vmem>>, vector<16xf32>,
          %get3A_250 = arith.index_cast %scan3A_234 : i32 to index
          %get3A_251 = arith.constant 32 : index
          %get3A_252 = tpu.vector_load %arg7[%get3A_250, %get3A_251] {strides = array<i32>} : memref<20x256xi32, #tpu.memory_space<vmem>>, vector<16xi32>,
          %gather3A_253 = tpu.vector_load_idx %arg5[%get3A_252] : memref<100000xf32, #tpu.memory_space<vmem>>[vector<16xi32>], vector<16xf32>,
          %swap3A_254 = arith.constant 0 : i32
          %swap3A_255 = arith.index_cast %scan3A_234 : i32 to index
          %swap3A_256 = arith.index_cast %swap3A_254 : i32 to index
          %swap3A_257 = arith.constant 32 : index
          %swap3A_258 = tpu.vector_load %arg9[%swap3A_255, %swap3A_256, %swap3A_257] {strides = array<i32>} : memref<20x2x128xf32, #tpu.memory_space<vmem>>, vector<16xf32>,
          tpu.vector_store %arg9[%swap3A_255, %swap3A_256, %swap3A_257], %gather3A_253 {strides = array<i32>} : memref<20x2x128xf32, #tpu.memory_space<vmem>>, vector<16xf32>,
          %get3A_259 = arith.index_cast %scan3A_234 : i32 to index
          %get3A_260 = arith.constant 48 : index
          %get3A_261 = tpu.vector_load %arg7[%get3A_259, %get3A_260] {strides = array<i32>} : memref<20x256xi32, #tpu.memory_space<vmem>>, vector<16xi32>,
          %gather3A_262 = tpu.vector_load_idx %arg5[%get3A_261] : memref<100000xf32, #tpu.memory_space<vmem>>[vector<16xi32>], vector<16xf32>,
          %swap3A_263 = arith.constant 0 : i32
          %swap3A_264 = arith.index_cast %scan3A_234 : i32 to index
          %swap3A_265 = arith.index_cast %swap3A_263 : i32 to index
          %swap3A_266 = arith.constant 48 : index
          %swap3A_267 = tpu.vector_load %arg9[%swap3A_264, %swap3A_265, %swap3A_266] {strides = array<i32>} : memref<20x2x128xf32, #tpu.memory_space<vmem>>, vector<16xf32>,
          tpu.vector_store %arg9[%swap3A_264, %swap3A_265, %swap3A_266], %gather3A_262 {strides = array<i32>} : memref<20x2x128xf32, #tpu.memory_space<vmem>>, vector<16xf32>,
          %get3A_268 = arith.index_cast %scan3A_234 : i32 to index
          %get3A_269 = arith.constant 64 : index
          %get3A_270 = tpu.vector_load %arg7[%get3A_268, %get3A_269] {strides = array<i32>} : memref<20x256xi32, #tpu.memory_space<vmem>>, vector<16xi32>,
          %gather3A_271 = tpu.vector_load_idx %arg5[%get3A_270] : memref<100000xf32, #tpu.memory_space<vmem>>[vector<16xi32>], vector<16xf32>,
          %swap3A_272 = arith.constant 0 : i32
          %swap3A_273 = arith.index_cast %scan3A_234 : i32 to index
          %swap3A_274 = arith.index_cast %swap3A_272 : i32 to index
          %swap3A_275 = arith.constant 64 : index
          %swap3A_276 = tpu.vector_load %arg9[%swap3A_273, %swap3A_274, %swap3A_275] {strides = array<i32>} : memref<20x2x128xf32, #tpu.memory_space<vmem>>, vector<16xf32>,
          tpu.vector_store %arg9[%swap3A_273, %swap3A_274, %swap3A_275], %gather3A_271 {strides = array<i32>} : memref<20x2x128xf32, #tpu.memory_space<vmem>>, vector<16xf32>,
          %get3A_277 = arith.index_cast %scan3A_234 : i32 to index
          %get3A_278 = arith.constant 80 : index
          %get3A_279 = tpu.vector_load %arg7[%get3A_277, %get3A_278] {strides = array<i32>} : memref<20x256xi32, #tpu.memory_space<vmem>>, vector<16xi32>,
          %gather3A_280 = tpu.vector_load_idx %arg5[%get3A_279] : memref<100000xf32, #tpu.memory_space<vmem>>[vector<16xi32>], vector<16xf32>,
          %swap3A_281 = arith.constant 0 : i32
          %swap3A_282 = arith.index_cast %scan3A_234 : i32 to index
          %swap3A_283 = arith.index_cast %swap3A_281 : i32 to index
          %swap3A_284 = arith.constant 80 : index
          %swap3A_285 = tpu.vector_load %arg9[%swap3A_282, %swap3A_283, %swap3A_284] {strides = array<i32>} : memref<20x2x128xf32, #tpu.memory_space<vmem>>, vector<16xf32>,
          tpu.vector_store %arg9[%swap3A_282, %swap3A_283, %swap3A_284], %gather3A_280 {strides = array<i32>} : memref<20x2x128xf32, #tpu.memory_space<vmem>>, vector<16xf32>,
          %get3A_286 = arith.index_cast %scan3A_234 : i32 to index
          %get3A_287 = arith.constant 96 : index
          %get3A_288 = tpu.vector_load %arg7[%get3A_286, %get3A_287] {strides = array<i32>} : memref<20x256xi32, #tpu.memory_space<vmem>>, vector<16xi32>,
          %gather3A_289 = tpu.vector_load_idx %arg5[%get3A_288] : memref<100000xf32, #tpu.memory_space<vmem>>[vector<16xi32>], vector<16xf32>,
          %swap3A_290 = arith.constant 0 : i32
          %swap3A_291 = arith.index_cast %scan3A_234 : i32 to index
          %swap3A_292 = arith.index_cast %swap3A_290 : i32 to index
          %swap3A_293 = arith.constant 96 : index
          %swap3A_294 = tpu.vector_load %arg9[%swap3A_291, %swap3A_292, %swap3A_293] {strides = array<i32>} : memref<20x2x128xf32, #tpu.memory_space<vmem>>, vector<16xf32>,
          tpu.vector_store %arg9[%swap3A_291, %swap3A_292, %swap3A_293], %gather3A_289 {strides = array<i32>} : memref<20x2x128xf32, #tpu.memory_space<vmem>>, vector<16xf32>,
          %get3A_295 = arith.index_cast %scan3A_234 : i32 to index
          %get3A_296 = arith.constant 112 : index
          %get3A_297 = tpu.vector_load %arg7[%get3A_295, %get3A_296] {strides = array<i32>} : memref<20x256xi32, #tpu.memory_space<vmem>>, vector<16xi32>,
          %gather3A_298 = tpu.vector_load_idx %arg5[%get3A_297] : memref<100000xf32, #tpu.memory_space<vmem>>[vector<16xi32>], vector<16xf32>,
          %swap3A_299 = arith.constant 0 : i32
          %swap3A_300 = arith.index_cast %scan3A_234 : i32 to index
          %swap3A_301 = arith.index_cast %swap3A_299 : i32 to index
          %swap3A_302 = arith.constant 112 : index
          %swap3A_303 = tpu.vector_load %arg9[%swap3A_300, %swap3A_301, %swap3A_302] {strides = array<i32>} : memref<20x2x128xf32, #tpu.memory_space<vmem>>, vector<16xf32>,
          tpu.vector_store %arg9[%swap3A_300, %swap3A_301, %swap3A_302], %gather3A_298 {strides = array<i32>} : memref<20x2x128xf32, #tpu.memory_space<vmem>>, vector<16xf32>,
          %get3A_304 = arith.index_cast %scan3A_234 : i32 to index
          %get3A_305 = arith.constant 128 : index
          %get3A_306 = tpu.vector_load %arg7[%get3A_304, %get3A_305] {strides = array<i32>} : memref<20x256xi32, #tpu.memory_space<vmem>>, vector<16xi32>,
          %gather3A_307 = tpu.vector_load_idx %arg5[%get3A_306] : memref<100000xf32, #tpu.memory_space<vmem>>[vector<16xi32>], vector<16xf32>,
          %swap3A_308 = arith.constant 1 : i32
          %swap3A_309 = arith.index_cast %scan3A_234 : i32 to index
          %swap3A_310 = arith.index_cast %swap3A_308 : i32 to index
          %swap3A_311 = arith.constant 0 : index
          %swap3A_312 = tpu.vector_load %arg9[%swap3A_309, %swap3A_310, %swap3A_311] {strides = array<i32>} : memref<20x2x128xf32, #tpu.memory_space<vmem>>, vector<16xf32>,
          tpu.vector_store %arg9[%swap3A_309, %swap3A_310, %swap3A_311], %gather3A_307 {strides = array<i32>} : memref<20x2x128xf32, #tpu.memory_space<vmem>>, vector<16xf32>,
          %get3A_313 = arith.index_cast %scan3A_234 : i32 to index
          %get3A_314 = arith.constant 144 : index
          %get3A_315 = tpu.vector_load %arg7[%get3A_313, %get3A_314] {strides = array<i32>} : memref<20x256xi32, #tpu.memory_space<vmem>>, vector<16xi32>,
          %gather3A_316 = tpu.vector_load_idx %arg5[%get3A_315] : memref<100000xf32, #tpu.memory_space<vmem>>[vector<16xi32>], vector<16xf32>,
          %swap3A_317 = arith.constant 1 : i32
          %swap3A_318 = arith.index_cast %scan3A_234 : i32 to index
          %swap3A_319 = arith.index_cast %swap3A_317 : i32 to index
          %swap3A_320 = arith.constant 16 : index
          %swap3A_321 = tpu.vector_load %arg9[%swap3A_318, %swap3A_319, %swap3A_320] {strides = array<i32>} : memref<20x2x128xf32, #tpu.memory_space<vmem>>, vector<16xf32>,
          tpu.vector_store %arg9[%swap3A_318, %swap3A_319, %swap3A_320], %gather3A_316 {strides = array<i32>} : memref<20x2x128xf32, #tpu.memory_space<vmem>>, vector<16xf32>,
          %get3A_322 = arith.index_cast %scan3A_234 : i32 to index
          %get3A_323 = arith.constant 160 : index
          %get3A_324 = tpu.vector_load %arg7[%get3A_322, %get3A_323] {strides = array<i32>} : memref<20x256xi32, #tpu.memory_space<vmem>>, vector<16xi32>,
          %gather3A_325 = tpu.vector_load_idx %arg5[%get3A_324] : memref<100000xf32, #tpu.memory_space<vmem>>[vector<16xi32>], vector<16xf32>,
          %swap3A_326 = arith.constant 1 : i32
          %swap3A_327 = arith.index_cast %scan3A_234 : i32 to index
          %swap3A_328 = arith.index_cast %swap3A_326 : i32 to index
          %swap3A_329 = arith.constant 32 : index
          %swap3A_330 = tpu.vector_load %arg9[%swap3A_327, %swap3A_328, %swap3A_329] {strides = array<i32>} : memref<20x2x128xf32, #tpu.memory_space<vmem>>, vector<16xf32>,
          tpu.vector_store %arg9[%swap3A_327, %swap3A_328, %swap3A_329], %gather3A_325 {strides = array<i32>} : memref<20x2x128xf32, #tpu.memory_space<vmem>>, vector<16xf32>,
          %get3A_331 = arith.index_cast %scan3A_234 : i32 to index
          %get3A_332 = arith.constant 176 : index
          %get3A_333 = tpu.vector_load %arg7[%get3A_331, %get3A_332] {strides = array<i32>} : memref<20x256xi32, #tpu.memory_space<vmem>>, vector<16xi32>,
          %gather3A_334 = tpu.vector_load_idx %arg5[%get3A_333] : memref<100000xf32, #tpu.memory_space<vmem>>[vector<16xi32>], vector<16xf32>,
          %swap3A_335 = arith.constant 1 : i32
          %swap3A_336 = arith.index_cast %scan3A_234 : i32 to index
          %swap3A_337 = arith.index_cast %swap3A_335 : i32 to index
          %swap3A_338 = arith.constant 48 : index
          %swap3A_339 = tpu.vector_load %arg9[%swap3A_336, %swap3A_337, %swap3A_338] {strides = array<i32>} : memref<20x2x128xf32, #tpu.memory_space<vmem>>, vector<16xf32>,
          tpu.vector_store %arg9[%swap3A_336, %swap3A_337, %swap3A_338], %gather3A_334 {strides = array<i32>} : memref<20x2x128xf32, #tpu.memory_space<vmem>>, vector<16xf32>,
          %get3A_340 = arith.index_cast %scan3A_234 : i32 to index
          %get3A_341 = arith.constant 192 : index
          %get3A_342 = tpu.vector_load %arg7[%get3A_340, %get3A_341] {strides = array<i32>} : memref<20x256xi32, #tpu.memory_space<vmem>>, vector<16xi32>,
          %gather3A_343 = tpu.vector_load_idx %arg5[%get3A_342] : memref<100000xf32, #tpu.memory_space<vmem>>[vector<16xi32>], vector<16xf32>,
          %swap3A_344 = arith.constant 1 : i32
          %swap3A_345 = arith.index_cast %scan3A_234 : i32 to index
          %swap3A_346 = arith.index_cast %swap3A_344 : i32 to index
          %swap3A_347 = arith.constant 64 : index
          %swap3A_348 = tpu.vector_load %arg9[%swap3A_345, %swap3A_346, %swap3A_347] {strides = array<i32>} : memref<20x2x128xf32, #tpu.memory_space<vmem>>, vector<16xf32>,
          tpu.vector_store %arg9[%swap3A_345, %swap3A_346, %swap3A_347], %gather3A_343 {strides = array<i32>} : memref<20x2x128xf32, #tpu.memory_space<vmem>>, vector<16xf32>,
          %get3A_349 = arith.index_cast %scan3A_234 : i32 to index
          %get3A_350 = arith.constant 208 : index
          %get3A_351 = tpu.vector_load %arg7[%get3A_349, %get3A_350] {strides = array<i32>} : memref<20x256xi32, #tpu.memory_space<vmem>>, vector<16xi32>,
          %gather3A_352 = tpu.vector_load_idx %arg5[%get3A_351] : memref<100000xf32, #tpu.memory_space<vmem>>[vector<16xi32>], vector<16xf32>,
          %swap3A_353 = arith.constant 1 : i32
          %swap3A_354 = arith.index_cast %scan3A_234 : i32 to index
          %swap3A_355 = arith.index_cast %swap3A_353 : i32 to index
          %swap3A_356 = arith.constant 80 : index
          %swap3A_357 = tpu.vector_load %arg9[%swap3A_354, %swap3A_355, %swap3A_356] {strides = array<i32>} : memref<20x2x128xf32, #tpu.memory_space<vmem>>, vector<16xf32>,
          tpu.vector_store %arg9[%swap3A_354, %swap3A_355, %swap3A_356], %gather3A_352 {strides = array<i32>} : memref<20x2x128xf32, #tpu.memory_space<vmem>>, vector<16xf32>,
          %get3A_358 = arith.index_cast %scan3A_234 : i32 to index
          %get3A_359 = arith.constant 224 : index
          %get3A_360 = tpu.vector_load %arg7[%get3A_358, %get3A_359] {strides = array<i32>} : memref<20x256xi32, #tpu.memory_space<vmem>>, vector<16xi32>,
          %gather3A_361 = tpu.vector_load_idx %arg5[%get3A_360] : memref<100000xf32, #tpu.memory_space<vmem>>[vector<16xi32>], vector<16xf32>,
          %swap3A_362 = arith.constant 1 : i32
          %swap3A_363 = arith.index_cast %scan3A_234 : i32 to index
          %swap3A_364 = arith.index_cast %swap3A_362 : i32 to index
          %swap3A_365 = arith.constant 96 : index
          %swap3A_366 = tpu.vector_load %arg9[%swap3A_363, %swap3A_364, %swap3A_365] {strides = array<i32>} : memref<20x2x128xf32, #tpu.memory_space<vmem>>, vector<16xf32>,
          tpu.vector_store %arg9[%swap3A_363, %swap3A_364, %swap3A_365], %gather3A_361 {strides = array<i32>} : memref<20x2x128xf32, #tpu.memory_space<vmem>>, vector<16xf32>,
          %get3A_367 = arith.index_cast %scan3A_234 : i32 to index
          %get3A_368 = arith.constant 240 : index
          %get3A_369 = tpu.vector_load %arg7[%get3A_367, %get3A_368] {strides = array<i32>} : memref<20x256xi32, #tpu.memory_space<vmem>>, vector<16xi32>,
          %gather3A_370 = tpu.vector_load_idx %arg5[%get3A_369] : memref<100000xf32, #tpu.memory_space<vmem>>[vector<16xi32>], vector<16xf32>,
          %swap3A_371 = arith.constant 1 : i32
          %swap3A_372 = arith.index_cast %scan3A_234 : i32 to index
          %swap3A_373 = arith.index_cast %swap3A_371 : i32 to index
          %swap3A_374 = arith.constant 112 : index
          %swap3A_375 = tpu.vector_load %arg9[%swap3A_372, %swap3A_373, %swap3A_374] {strides = array<i32>} : memref<20x2x128xf32, #tpu.memory_space<vmem>>, vector<16xf32>,
          tpu.vector_store %arg9[%swap3A_372, %swap3A_373, %swap3A_374], %gather3A_370 {strides = array<i32>} : memref<20x2x128xf32, #tpu.memory_space<vmem>>, vector<16xf32>,
        }
        %scan3A_176 = arith.constant 20 : i32
        %add3A_177 = arith.constant 1 : i32
        %add3A_178 = arith.addi %mul3A_81, %add3A_177 : i32
        %jit3A_179 = arith.constant 8 : i32
        %div3A_180 = arith.divsi %add3A_9, %jit3A_179 : i32
        %sign3A_181 = arith.constant 0 : i32
        %sign3A_182 = arith.cmpi sgt, %add3A_9, %sign3A_181 : i32
        %sign3A_183 = arith.extui %sign3A_182 : i1 to i32
        %sign3A_184 = arith.constant 0 : i32
        %sign3A_185 = arith.cmpi slt, %add3A_9, %sign3A_184 : i32
        %sign3A_186 = arith.extui %sign3A_185 : i1 to i32
        %sign3A_187 = arith.subi %sign3A_183, %sign3A_186 : i32
        %sign3A_188 = arith.constant 0 : i32
        %sign3A_189 = arith.cmpi sgt, %jit3A_179, %sign3A_188 : i32
        %sign3A_190 = arith.extui %sign3A_189 : i1 to i32
        %sign3A_191 = arith.constant 0 : i32
        %sign3A_192 = arith.cmpi slt, %jit3A_179, %sign3A_191 : i32
        %sign3A_193 = arith.extui %sign3A_192 : i1 to i32
        %sign3A_194 = arith.subi %sign3A_190, %sign3A_193 : i32
        %ne3A_195 = arith.cmpi ne, %sign3A_187, %sign3A_194 : i32
        %rem3A_196 = arith.remsi %add3A_9, %jit3A_179 : i32
        %ne3A_197 = arith.constant 0 : i32
        %ne3A_198 = arith.cmpi ne, %rem3A_196, %ne3A_197 : i32
        %and3A_199 = arith.andi %ne3A_195, %ne3A_198 : i1
        %sub3A_200 = arith.constant 1 : i32
        %sub3A_201 = arith.subi %div3A_180, %sub3A_200 : i32
        %select_n3A_202 = arith.select %and3A_199, %sub3A_201, %div3A_180 : i32
        %mul3A_203 = arith.constant 2 : i32
        %mul3A_204 = arith.muli %add3A_178, %mul3A_203 : i32
        %jit3A_205 = arith.constant 8 : i32
        %eq3A_206 = arith.constant 0 : i32
        %eq3A_207 = arith.cmpi eq, %jit3A_205, %eq3A_206 : i32
        %jit3A_208 = arith.constant 1 : i32
        %select_n3A_209 = arith.select %eq3A_207, %jit3A_208, %jit3A_205 : i32
        %rem3A_210 = arith.remsi %add3A_9, %select_n3A_209 : i32
        %ne3A_211 = arith.constant 0 : i32
        %ne3A_212 = arith.cmpi ne, %rem3A_210, %ne3A_211 : i32
        %lt3A_213 = arith.constant 0 : i32
        %lt3A_214 = arith.cmpi slt, %rem3A_210, %lt3A_213 : i32
        %lt3A_215 = arith.constant 0 : i32
        %lt3A_216 = arith.cmpi slt, %select_n3A_209, %lt3A_215 : i32
        %ne3A_217 = arith.xori %lt3A_214, %lt3A_216 : i1
        %and3A_218 = arith.andi %ne3A_217, %ne3A_212 : i1
        %add3A_219 = arith.addi %rem3A_210, %select_n3A_209 : i32
        %select_n3A_220 = arith.select %and3A_218, %add3A_219, %rem3A_210 : i32
        %dma_start3A_221 = arith.constant 0 : i32
        %dma_start3A_222 = arith.constant 0 : i32
        %dma_start3A_223 = tpu.memref_slice %arg4[%dma_start3A_221, %select_n3A_202, %mul3A_204, %select_n3A_220, %dma_start3A_222] : memref<20x104x32x8x128xf32, #tpu.memory_space<hbm>> -> memref<20x1x2x1x128xf32, #tpu.memory_space<hbm>>
        %dma_start3A_224 = tpu.memref_squeeze %dma_start3A_223 : memref<20x1x2x1x128xf32, #tpu.memory_space<hbm>> -> memref<20x2x128xf32, #tpu.memory_space<hbm>>
        %dma_start3A_225 = arith.constant 0 : i32
        %dma_start3A_226 = arith.constant 0 : i32
        %dma_start3A_227 = tpu.memref_slice %arg4[%dma_start3A_225, %select_n3A_202, %mul3A_204, %select_n3A_220, %dma_start3A_226] : memref<20x104x32x8x128xf32, #tpu.memory_space<hbm>> -> memref<20x1x2x1x128xf32, #tpu.memory_space<hbm>>
        %dma_start3A_228 = tpu.memref_squeeze %dma_start3A_227 : memref<20x1x2x1x128xf32, #tpu.memory_space<hbm>> -> memref<20x2x128xf32, #tpu.memory_space<hbm>>
        tpu.enqueue_dma source(%arg9 : memref<20x2x128xf32, #tpu.memory_space<vmem>>) target(%dma_start3A_228 : memref<20x2x128xf32, #tpu.memory_space<hbm>>) target_semaphore(%arg11 : memref<!tpu.dma_semaphore, #tpu.memory_space<semaphore_mem>>)
        %lt3A_229 = arith.constant 7 : i32
        %lt3A_230 = arith.cmpi slt, %scan3A_79, %lt3A_229 : i32
        %convert_element_type3A_231 = arith.extui %lt3A_230 : i1 to i32
        %cond3A_232 = arith.constant 0 : i32
        %cond3A_233 = arith.cmpi ne, %convert_element_type3A_231, %cond3A_232 : i32
        scf.if %cond3A_233 {
          %add3A_234 = arith.constant 3 : i32
          %add3A_235 = arith.addi %mul3A_81, %add3A_234 : i32
          %mul3A_236 = arith.constant 256 : i32
          %mul3A_237 = arith.muli %add3A_235, %mul3A_236 : i32
          %dma_start3A_238 = arith.constant 0 : i32
          %dma_start3A_239 = tpu.memref_slice %arg2[%select_n3A, %dma_start3A_238, %mul3A_237] : memref<26x20x4096xi32, #tpu.memory_space<hbm>> -> memref<1x20x256xi32, #tpu.memory_space<hbm>>
          %dma_start3A_240 = tpu.memref_squeeze %dma_start3A_239 : memref<1x20x256xi32, #tpu.memory_space<hbm>> -> memref<20x256xi32, #tpu.memory_space<hbm>>
          %dma_start3A_241 = arith.constant 0 : i32
          %dma_start3A_242 = tpu.memref_slice %arg2[%select_n3A, %dma_start3A_241, %mul3A_237] : memref<26x20x4096xi32, #tpu.memory_space<hbm>> -> memref<1x20x256xi32, #tpu.memory_space<hbm>>
          %dma_start3A_243 = tpu.memref_squeeze %dma_start3A_242 : memref<1x20x256xi32, #tpu.memory_space<hbm>> -> memref<20x256xi32, #tpu.memory_space<hbm>>
          tpu.enqueue_dma source(%dma_start3A_243 : memref<20x256xi32, #tpu.memory_space<hbm>>) target(%arg7 : memref<20x256xi32, #tpu.memory_space<vmem>>) target_semaphore(%arg13 : memref<!tpu.dma_semaphore, #tpu.memory_space<semaphore_mem>>)
        } else {
        }
      }
      %scan3A_73 = arith.constant 8 : i32
      %eq3A_74 = arith.constant 25 : i32
      %eq3A_75 = arith.cmpi eq, %scan3A_6, %eq3A_74 : i32
      %convert_element_type3A_76 = arith.extui %eq3A_75 : i1 to i32
      %cond3A_77 = arith.constant 0 : i32
      %cond3A_78 = arith.cmpi ne, %convert_element_type3A_76, %cond3A_77 : i32
      scf.if %cond3A_78 {
        %jit3A_79 = arith.constant 8 : i32
        %div3A_80 = arith.divsi %add3A_9, %jit3A_79 : i32
        %sign3A_81 = arith.constant 0 : i32
        %sign3A_82 = arith.cmpi sgt, %add3A_9, %sign3A_81 : i32
        %sign3A_83 = arith.extui %sign3A_82 : i1 to i32
        %sign3A_84 = arith.constant 0 : i32
        %sign3A_85 = arith.cmpi slt, %add3A_9, %sign3A_84 : i32
        %sign3A_86 = arith.extui %sign3A_85 : i1 to i32
        %sign3A_87 = arith.subi %sign3A_83, %sign3A_86 : i32
        %sign3A_88 = arith.constant 0 : i32
        %sign3A_89 = arith.cmpi sgt, %jit3A_79, %sign3A_88 : i32
        %sign3A_90 = arith.extui %sign3A_89 : i1 to i32
        %sign3A_91 = arith.constant 0 : i32
        %sign3A_92 = arith.cmpi slt, %jit3A_79, %sign3A_91 : i32
        %sign3A_93 = arith.extui %sign3A_92 : i1 to i32
        %sign3A_94 = arith.subi %sign3A_90, %sign3A_93 : i32
        %ne3A_95 = arith.cmpi ne, %sign3A_87, %sign3A_94 : i32
        %rem3A_96 = arith.remsi %add3A_9, %jit3A_79 : i32
        %ne3A_97 = arith.constant 0 : i32
        %ne3A_98 = arith.cmpi ne, %rem3A_96, %ne3A_97 : i32
        %and3A_99 = arith.andi %ne3A_95, %ne3A_98 : i1
        %sub3A_100 = arith.constant 1 : i32
        %sub3A_101 = arith.subi %div3A_80, %sub3A_100 : i32
        %select_n3A_102 = arith.select %and3A_99, %sub3A_101, %div3A_80 : i32
        %jit3A_103 = arith.constant 8 : i32
        %eq3A_104 = arith.constant 0 : i32
        %eq3A_105 = arith.cmpi eq, %jit3A_103, %eq3A_104 : i32
        %jit3A_106 = arith.constant 1 : i32
        %select_n3A_107 = arith.select %eq3A_105, %jit3A_106, %jit3A_103 : i32
        %rem3A_108 = arith.remsi %add3A_9, %select_n3A_107 : i32
        %ne3A_109 = arith.constant 0 : i32
        %ne3A_110 = arith.cmpi ne, %rem3A_108, %ne3A_109 : i32
        %lt3A_111 = arith.constant 0 : i32
        %lt3A_112 = arith.cmpi slt, %rem3A_108, %lt3A_111 : i32
        %lt3A_113 = arith.constant 0 : i32
        %lt3A_114 = arith.cmpi slt, %select_n3A_107, %lt3A_113 : i32
        %ne3A_115 = arith.xori %lt3A_112, %lt3A_114 : i1
        %and3A_116 = arith.andi %ne3A_115, %ne3A_110 : i1
        %add3A_117 = arith.addi %rem3A_108, %select_n3A_107 : i32
        %select_n3A_118 = arith.select %and3A_116, %add3A_117, %rem3A_108 : i32
        %dma_wait3A_119 = arith.constant 0 : i32
        %dma_wait3A_120 = arith.constant 28 : i32
        %dma_wait3A_121 = arith.constant 0 : i32
        %dma_wait3A_122 = tpu.memref_slice %arg4[%dma_wait3A_119, %select_n3A_102, %dma_wait3A_120, %select_n3A_118, %dma_wait3A_121] : memref<20x104x32x8x128xf32, #tpu.memory_space<hbm>> -> memref<20x1x2x1x128xf32, #tpu.memory_space<hbm>>
        %dma_wait3A_123 = tpu.memref_squeeze %dma_wait3A_122 : memref<20x1x2x1x128xf32, #tpu.memory_space<hbm>> -> memref<20x2x128xf32, #tpu.memory_space<hbm>>
        %dma_wait3A_124 = arith.constant 0 : i32
        %dma_wait3A_125 = arith.constant 28 : i32
        %dma_wait3A_126 = arith.constant 0 : i32
        %dma_wait3A_127 = tpu.memref_slice %arg4[%dma_wait3A_124, %select_n3A_102, %dma_wait3A_125, %select_n3A_118, %dma_wait3A_126] : memref<20x104x32x8x128xf32, #tpu.memory_space<hbm>> -> memref<20x1x2x1x128xf32, #tpu.memory_space<hbm>>
        %dma_wait3A_128 = tpu.memref_squeeze %dma_wait3A_127 : memref<20x1x2x1x128xf32, #tpu.memory_space<hbm>> -> memref<20x2x128xf32, #tpu.memory_space<hbm>>
        tpu.wait_dma2 semaphore(%arg10 : memref<!tpu.dma_semaphore, #tpu.memory_space<semaphore_mem>>) src(%arg8 : memref<20x2x128xf32, #tpu.memory_space<vmem>>) dst(%dma_wait3A_128 : memref<20x2x128xf32, #tpu.memory_space<hbm>>)
        %jit3A_129 = arith.constant 8 : i32
        %div3A_130 = arith.divsi %add3A_9, %jit3A_129 : i32
        %sign3A_131 = arith.constant 0 : i32
        %sign3A_132 = arith.cmpi sgt, %add3A_9, %sign3A_131 : i32
        %sign3A_133 = arith.extui %sign3A_132 : i1 to i32
        %sign3A_134 = arith.constant 0 : i32
        %sign3A_135 = arith.cmpi slt, %add3A_9, %sign3A_134 : i32
        %sign3A_136 = arith.extui %sign3A_135 : i1 to i32
        %sign3A_137 = arith.subi %sign3A_133, %sign3A_136 : i32
        %sign3A_138 = arith.constant 0 : i32
        %sign3A_139 = arith.cmpi sgt, %jit3A_129, %sign3A_138 : i32
        %sign3A_140 = arith.extui %sign3A_139 : i1 to i32
        %sign3A_141 = arith.constant 0 : i32
        %sign3A_142 = arith.cmpi slt, %jit3A_129, %sign3A_141 : i32
        %sign3A_143 = arith.extui %sign3A_142 : i1 to i32
        %sign3A_144 = arith.subi %sign3A_140, %sign3A_143 : i32
        %ne3A_145 = arith.cmpi ne, %sign3A_137, %sign3A_144 : i32
        %rem3A_146 = arith.remsi %add3A_9, %jit3A_129 : i32
        %ne3A_147 = arith.constant 0 : i32
        %ne3A_148 = arith.cmpi ne, %rem3A_146, %ne3A_147 : i32
        %and3A_149 = arith.andi %ne3A_145, %ne3A_148 : i1
        %sub3A_150 = arith.constant 1 : i32
        %sub3A_151 = arith.subi %div3A_130, %sub3A_150 : i32
        %select_n3A_152 = arith.select %and3A_149, %sub3A_151, %div3A_130 : i32
        %jit3A_153 = arith.constant 8 : i32
        %eq3A_154 = arith.constant 0 : i32
        %eq3A_155 = arith.cmpi eq, %jit3A_153, %eq3A_154 : i32
        %jit3A_156 = arith.constant 1 : i32
        %select_n3A_157 = arith.select %eq3A_155, %jit3A_156, %jit3A_153 : i32
        %rem3A_158 = arith.remsi %add3A_9, %select_n3A_157 : i32
        %ne3A_159 = arith.constant 0 : i32
        %ne3A_160 = arith.cmpi ne, %rem3A_158, %ne3A_159 : i32
        %lt3A_161 = arith.constant 0 : i32
        %lt3A_162 = arith.cmpi slt, %rem3A_158, %lt3A_161 : i32
        %lt3A_163 = arith.constant 0 : i32
        %lt3A_164 = arith.cmpi slt, %select_n3A_157, %lt3A_163 : i32
        %ne3A_165 = arith.xori %lt3A_162, %lt3A_164 : i1
        %and3A_166 = arith.andi %ne3A_165, %ne3A_160 : i1
        %add3A_167 = arith.addi %rem3A_158, %select_n3A_157 : i32
        %select_n3A_168 = arith.select %and3A_166, %add3A_167, %rem3A_158 : i32
        %dma_wait3A_169 = arith.constant 0 : i32
        %dma_wait3A_170 = arith.constant 30 : i32
        %dma_wait3A_171 = arith.constant 0 : i32
        %dma_wait3A_172 = tpu.memref_slice %arg4[%dma_wait3A_169, %select_n3A_152, %dma_wait3A_170, %select_n3A_168, %dma_wait3A_171] : memref<20x104x32x8x128xf32, #tpu.memory_space<hbm>> -> memref<20x1x2x1x128xf32, #tpu.memory_space<hbm>>
        %dma_wait3A_173 = tpu.memref_squeeze %dma_wait3A_172 : memref<20x1x2x1x128xf32, #tpu.memory_space<hbm>> -> memref<20x2x128xf32, #tpu.memory_space<hbm>>
        %dma_wait3A_174 = arith.constant 0 : i32
        %dma_wait3A_175 = arith.constant 30 : i32
        %dma_wait3A_176 = arith.constant 0 : i32
        %dma_wait3A_177 = tpu.memref_slice %arg4[%dma_wait3A_174, %select_n3A_152, %dma_wait3A_175, %select_n3A_168, %dma_wait3A_176] : memref<20x104x32x8x128xf32, #tpu.memory_space<hbm>> -> memref<20x1x2x1x128xf32, #tpu.memory_space<hbm>>
        %dma_wait3A_178 = tpu.memref_squeeze %dma_wait3A_177 : memref<20x1x2x1x128xf32, #tpu.memory_space<hbm>> -> memref<20x2x128xf32, #tpu.memory_space<hbm>>
        tpu.wait_dma2 semaphore(%arg11 : memref<!tpu.dma_semaphore, #tpu.memory_space<semaphore_mem>>) src(%arg9 : memref<20x2x128xf32, #tpu.memory_space<vmem>>) dst(%dma_wait3A_178 : memref<20x2x128xf32, #tpu.memory_space<hbm>>)
      } else {
      }
    }
    %scan3A_5 = arith.constant 26 : i32
    return
  }
}

</mosaic_0001>

<sc_bundles>
// kernel: kernel.3.cloned.1.call-start
scs
__scs_entry_jumppad:
0x0: {  	(pc) =	sbr.rel $0x88, $3  }
0x1: {  	(tag) =	ssettag $0x0;
	lr =	simm.s32 $0x1  }
0x2: {  	[smem:$0x3F9F] =	sst lr;
	_ =	strace $0xD0000000  }
0x3: {  	_ = 	snop  }
0x4: {  	_ = 	snop  }
0x5: {  	_ = 	snop  }
0x6: {  	_ = 	snop  }
0x7: {  	_ = 	snop  }
__scs_overlays_trampoline_lowered:
0x8: {  	[smem:$0x3FAE] =	sst s0  }
0x9: {  	[smem:$0x3FAF] =	sst s1  }
0xa: {  	[smem:$0x3FB0] =	sst s2  }
0xb: {  	[smem:$0x3FB1] =	sst s3  }
0xc: {  	[smem:$0x3FB2] =	sst s4  }
0xd: {  	[smem:$0x3FB3] =	sst s5  }
0xe: {  	[smem:$0x3FB4] =	sst s6  }
0xf: {  	[smem:$0x3FB5] =	sst s7  }
0x10: {  	[smem:$0x3FB6] =	sst s8  }
0x11: {  	[smem:$0x3FB7] =	sst s9;
	s0 =	simm.s32 @!p0 $0x0  }
0x12: {  	s1 =	sld [smem:$0x3F9D];
	s0 =	simm.s32 @p0 $0x1  }
0x13: {  	[smem:$0x3FB8] =	sst s0;
	s0 =	simm.s32 @!p1 $0x0  }
0x14: {  	s2 =	sld [smem:$0x3F9C];
	s0 =	simm.s32 @p1 $0x1  }
0x15: {  	[smem:$0x3FB9] =	sst s0;
	s0 =	simm.s32 @!p2 $0x0  }
0x16: {  	s3 =	sld [smem:$0x3FDB];
	s0 =	simm.s32 @p2 $0x1  }
0x17: {  	s4 =	simm.s32 $0x1BF5;
	[smem:$0x3FBB] =	sst s0  }
0x18: {  	s0 =	sld [smem:$0x3F9E];
	_ =	swait.ge [sflag:s4], $0x0  }
0x19: {  	s7 =	sld [smem:$0x3F9F]  }
0x1a: {  	s8 =	sadd.s32 $0xFFFFE003, lr  }
0x1b: {  	s9 =	sadd.s32 $0xFFFFFEF7, lr;
	s5 =	simm.s32 $0xFFFFFFFF;
	p2 =	slt.u32 s8, $0xFFFFF086  }
0x1c: {  	p1 =	slt.u32 s9, $0xF7A;
	s5 =	simm.s32 @!p2 $0x0  }
0x1d: {  	s5 =	simm.s32 @p1 $0x1;
	p0 =	seq.s32 s7, s2  }
0x1e: {  	s7 =	smul.u32 @!p0 $0xF7A, s2;
	p2 =	seq.s32 @!p0 s5, $0x0  }
0x1f: {  	s9 =	smul.u32 $0xF7A, s1;
	s8 =	simm.s32 @!p0 $0x1BF5;
	p2 =	por !p2, p0  }
0x20: {  	[sflag:s8] =	ssyncset.s32 @!p0 $0xFFFFF086;
	s6 =	sadd.s32 @!p0 s3, s7;
	s7 =	simm.s32 @!p0 $0x108  }
0x21: {  	s3 =	sadd.s32 s3, s9;
	s6 =	sadd.s32 @!p0 $0x88, s6;
	s7 =	simm.s32 @p2 $0x1082  }
0x22: {  	[simem:s7], [sflag:s8] =	dma.local @!p0 [hbm:s6], $0xF7A  }
0x23: {  	s9 =	sor.u32 $0xD0000000, s2;
	s6 =	simm.s32 $0x108;
	_ =	swait.ge @!p0 [sflag:s8], $0x0  }
0x24: {  	s3 =	sadd.s32 $0x88, s3;
	s6 =	simm.s32 @!p1 $0x1082;
	[sflag:s4] =	ssyncset.s32 $0xFFFFF086  }
0x25: {  	[simem:s6], [sflag:s4] =	dma.local [hbm:s3], $0xF7A  }
0x26: {  	[smem:$0x3F9F] =	sst s1;
	(tag) =	ssettag s2;
	_ =	strace s9  }
0x27: {  	s1 =	sld [smem:$0x3FAF]  }
0x28: {  	s2 =	sld [smem:$0x3FB0]  }
0x29: {  	s4 =	sld [smem:$0x3FB2]  }
0x2a: {  	p0 =	seq.s32 s5, $0x0;
	s5 =	sld [smem:$0x3FB3]  }
0x2b: {  	s6 =	sld [smem:$0x3FB4]  }
0x2c: {  	s7 =	sld [smem:$0x3FB5]  }
0x2d: {  	s3 =	simm.s32 $0x108;
	s8 =	sld [smem:$0x3FB6]  }
0x2e: {  	s3 =	simm.s32 @!p0 $0x1082;
	s9 =	sld [smem:$0x3FB7]  }
0x2f: {  	lr =	sadd.s32 s0, s3;
	s0 =	sld [smem:$0x3FAE]  }
0x30: {  	s3 =	sld [smem:$0x3FB1]  }
0x31: {  	[smem:$0x3FBA] =	sst s10  }
0x32: {  	s10 =	sld [smem:$0x3FB8];
	_ =	sdelay $0x3  }
0x33: {  	p0 =	seq.s32 s10, $0x1;
	s10 =	sld [smem:$0x3FBA];
	_ =	sdelay $0x3  }
0x34: {  	[smem:$0x3FBA] =	sst s10  }
0x35: {  	s10 =	sld [smem:$0x3FB9];
	_ =	sdelay $0x3  }
0x36: {  	p1 =	seq.s32 s10, $0x1;
	s10 =	sld [smem:$0x3FBA];
	_ =	sdelay $0x3  }
0x37: {  	[smem:$0x3FBA] =	sst s10  }
0x38: {  	s10 =	sld [smem:$0x3FBB]  }
0x39: {  	_ = 	snop;
	(pc) =	sbr.ind lr, $3  }
0x3a: {  	_ = 	snop  }
0x3b: {  	_ = 	snop  }
0x3c: {  	p2 =	seq.s32 s10, $0x1;
	s10 =	sld [smem:$0x3FBA]  }
0x3d: {  	_ =	shalt  }
0x3e: {  	_ =	shalt  }
0x3f: {  	_ =	shalt  }
0x40: {  	_ =	shalt  }
0x41: {  	_ =	shalt  }
0x42: {  	_ =	shalt  }
0x43: {  	_ =	shalt  }
0x44: {  	_ =	shalt  }
0x45: {  	_ =	shalt  }
0x46: {  	_ =	shalt  }
0x47: {  	_ =	shalt  }
0x48: {  	_ =	shalt  }
0x49: {  	_ =	shalt  }
0x4a: {  	_ =	shalt  }
0x4b: {  	_ =	shalt  }
0x4c: {  	_ =	shalt  }
0x4d: {  	_ =	shalt  }
0x4e: {  	_ =	shalt  }
0x4f: {  	_ =	shalt  }
0x50: {  	_ =	shalt  }
0x51: {  	_ =	shalt  }
0x52: {  	_ =	shalt  }
0x53: {  	_ =	shalt  }
0x54: {  	_ =	shalt  }
0x55: {  	_ =	shalt  }
0x56: {  	_ =	shalt  }
0x57: {  	_ =	shalt  }
0x58: {  	_ =	shalt  }
0x59: {  	_ =	shalt  }
0x5a: {  	_ =	shalt  }
0x5b: {  	_ =	shalt  }
0x5c: {  	_ =	shalt  }
0x5d: {  	_ =	shalt  }
0x5e: {  	_ =	shalt  }
0x5f: {  	_ =	shalt  }
0x60: {  	_ =	shalt  }
0x61: {  	_ =	shalt  }
0x62: {  	_ =	shalt  }
0x63: {  	_ =	shalt  }
0x64: {  	_ =	shalt  }
0x65: {  	_ =	shalt  }
0x66: {  	_ =	shalt  }
0x67: {  	_ =	shalt  }
0x68: {  	_ =	shalt  }
0x69: {  	_ =	shalt  }
0x6a: {  	_ =	shalt  }
0x6b: {  	_ =	shalt  }
0x6c: {  	_ =	shalt  }
0x6d: {  	_ =	shalt  }
0x6e: {  	_ =	shalt  }
0x6f: {  	_ =	shalt  }
0x70: {  	_ =	shalt  }
0x71: {  	_ =	shalt  }
0x72: {  	_ =	shalt  }
0x73: {  	_ =	shalt  }
0x74: {  	_ =	shalt  }
0x75: {  	_ =	shalt  }
0x76: {  	_ =	shalt  }
0x77: {  	_ =	shalt  }
0x78: {  	_ =	shalt  }
0x79: {  	_ =	shalt  }
0x7a: {  	_ =	shalt  }
0x7b: {  	_ =	shalt  }
0x7c: {  	_ =	shalt  }
0x7d: {  	_ =	shalt  }
0x7e: {  	_ =	shalt  }
0x7f: {  	_ =	shalt  }
0x80: {  	_ =	shalt  }
0x81: {  	_ =	shalt  }
0x82: {  	_ =	shalt  }
0x83: {  	_ =	shalt  }
0x84: {  	_ =	shalt  }
0x85: {  	_ =	shalt  }
0x86: {  	_ =	shalt  }
0x87: {  	_ =	shalt  }
.Lfunc_end0:
.L_simem_size_0:
called_computation_lowered:
.L_overlay_start_0:
0x88: {  	s2 =	sld [smem:$0x3FD9]  }
0x89: {  	s3 =	sld [smem:$0x3FFE];
	_ =	sdelay $0x1  }
0x8a: {  	s1 =	srdreg.scid  }
0x8b: {  	s0 =	sand.u32 $0x1, s1  }
0x8c: {  	s17 =	sshll.u32 s0, $0xA;
	s2 =	sadd.s32 s3, s2  }
0x8d: {  	s2 =	sadd.s32 s2, s17  }
0x8e: {  	[smem:$0x3FC6] =	sst s2  }
0x8f: {  	_ = 	snop  }
0x90: {  	s2 =	sld [smem:$0x3FD0];
	(tm) =	ssettm $0x1  }
0x91: {  	s18 =	sld [smem:$0x3FFB];
	_ =	sdelay $0x3  }
0x92: {  	_ =	strace s18  }
0x93: {  	s3 =	sld [smem:$0x3FFC];
	_ =	sdelay $0x3  }
0x94: {  	_ =	strace s3  }
0x95: {  	s3 =	sld [smem:$0x3FFD];
	_ =	sdelay $0x3  }
0x96: {  	_ =	strace s3  }
0x97: {  	_ =	strace $0x8FFFFFFF  }
0x98: {  	s19 =	sld [smem:$0x3FDB];
	_ =	sdelay $0x1  }
0x99: {  	s4 =	simm.s32 $_scs_section_size  }
0x9a: {  	s5 =	simm.s32 $_size__tile_overlayer_lowered;
	s6 =	simm.s32 $_tile_overlayer_lowered  }
0x9b: {  	s22 =	simm.s32 $0x1BFF;
	s21 =	sshll.u32 s6, $0x1;
	s3 =	sadd.s32 s4, s19  }
0x9c: {  	s7 =	simm.s32 $0x0;
	s20 =	sshll.u32 s5, $0x1;
	s5 =	sadd.s32 s21, s3  }
0x9d: {  	[timem:s7], [sflag:s22] =	dma.local [hbm:s5], s20  }
0x9e: {  	_ =	swait.ge [sflag:s22], s20  }
0x9f: {  	s4 =	ssub.s32 $0x0, s20;
	[sflag:s22] =	ssyncset.done $0x0  }
0xa0: {  	[sflag:s22] =	ssyncadd.s32 s4;
	_ =	sdelay $0x1  }
0xa1: {  	s23 =	simm.s32 $0x1B8B  }
0xa2: {  	_ =	swait.ge [sflag:s23], $0x1  }
0xa3: {  	[sflag:s23] =	ssyncset.done $0x0  }
0xa4: {  	s25 =	simm.s32 $0x1B8E;
	s24 =	sld [smem:$0x3FFE];
	[sflag:s23] =	ssyncadd.s32 $0xFFFFFFFF  }
0xa5: {  	s26 =	simm.s32 $execute0_lowered;
	[smem:$0x3FD2] =	sst s25  }
0xa6: {  	s5 =	sshll.u32 s26, $0x1;
	_ =	strace $0x80000046;
	[dreg:$0x1] =	wrdreg $0xFFFFFFFF  }
0xa7: {  	s28 =	simm.s32 $_size_execute0_lowered;
	s3 =	sadd.s32 s3, s5;
	[dreg:$0x0] =	wrdreg $0x0  }
0xa8: {  	s5 =	sshll.u32 s28, $0x1;
	[dreg:$0x2] =	wrdreg s3  }
0xa9: {  	[dreg:$0x3] =	wrdreg s5  }
0xaa: {  	[dreg:$0x4] =	wrdreg $0xC0  }
0xab: {  	_ =	task [dreg:s7], $0x5FFFF  }
0xac: {  	[dreg:$0x1] =	wrdreg $0xFFFFFFFF  }
0xad: {  	[dreg:$0x0] =	wrdreg $0x60  }
0xae: {  	[dreg:$0x2] =	wrdreg s24  }
0xaf: {  	[dreg:$0x3] =	wrdreg s2  }
0xb0: {  	[dreg:$0x4] =	wrdreg $0x9  }
0xb1: {  	_ =	task.clear_ibuf [dreg:s7], $0x5FFFF;
	_ =	strace $0x90000046  }
0xb2: {  	s29 =	simm.s32 $0x9;
	_ =	strace $0x80000048  }
0xb3: {  	_ =	swait.ge [sflag:s29], $0x1  }
0xb4: {  	[sflag:s29] =	ssyncadd.s32 $0xFFFFFFFF  }
0xb5: {  	_ =	strace $0x90000048  }
0xb6: {  	_ =	sfence  }
0xb7: {  	s30 =	sld [smem:$0x0];
	_ =	sdelay $0x2  }
0xb8: {  	s31 =	sshll.u32 s1, $0xD;
	s1 =	sshrl.u32 s1, $0x2  }
0xb9: {  	s3 =	sand.u32 $0x4000, s31;
	s1 =	sadd.s32 s1, s30  }
0xba: {  	s0 =	sor.u32 s3, s0;
	s1 =	sshll.u32 s1, $0x11  }
0xbb: {  	s0 =	sor.u32 s1, s0  }
0xbc: {  	s0 =	sadd.s32 $0x8F2B, s0  }
0xbd: {  	[sflag:s0] =	ssyncadd.remote.s32 $0x1  }
0xbe: {  	_ =	sfence.sel $0xFFFF  }
0xbf: {  	[dreg:$0x0] =	wrdreg $0xFFFFFFFF;
	(pc) =	sbr.abs _section_cstart, $3  }
0xc0: {  	[dreg:$0x1] =	wrdreg $0xFFFFFFFF  }
0xc1: {  	_ =	task.clear_ibuf [dreg:s7], $0x2FFFF;
	_ =	strace $0x9FFFFFFF  }
0xc2: {  	(tm) =	ssettm $0x7FFFFFFF  }
0xc3: {  	_ =	shalt  }
tec
execute0_lowered:
.L_overlay_start_1:
0x0: {  	(tag) =	ssettag $0x1  }
0x1: {  	s7 =	rddreg [dreg:$0x0]  }
0x2: {  	s1 =	rddreg [dreg:$0x1]  }
0x3: {  	s0 =	rddreg [dreg:$0x2];
	s2 =	simm.s32 $0x0;
	s3 =	srdreg.scid  }
0x4: {  	s11 =	simm.s32 $0x186A0;
	s12 =	simm.s32 $0x19AA0;
	s13 =	simm.s32 $0x5  }
0x5: {  	s14 =	simm.s32 $0x3;
	s15 =	simm.s32 $0x80;
	s16 =	simm.s32 $0x400  }
0x6: {  	s17 =	simm.s32 $0x4;
	s18 =	simm.s32 $0x2;
	s19 =	simm.s32 $0x1  }
0x7: {  	s20 =	simm.s32 $0x0;
	[smem:$0x7FF] =	sst s2;
	s6 =	sand.u32 $0x1, s3  }
.Ltmp0:
0x8: {  	s3 =	stileid.u32;
	s4 =	sadd.s32 $0x400, s7;
	(pc) =	sbr.rel .LBB2_1-.Ltmp0, $4  }
0x9: {  	s5 =	sadd.s32 $0x41400, s7;
	s7 =	sadd.s32 $0x420, s7;
	s8 =	ssub.s32 $0x2, s6  }
0xa: {  	_ =	strace $0x80000047;
	s10 =	sshll.u32 s3, $0x1;
	s9 =	sshrl.u32 s8, $0x1  }
0xb: {  	s6 =	sor.u32 s6, s10;
	s10 =	simm.s32 $0x1000;
	s8 =	ssub.s32 s8, s9  }
0xc: {  	s6 =	smul.u32 $0x1A, s6;
	s9 =	simm.s32 $0x100;
	s8 =	smax.u32 s8, $0x1  }
.LBB2_18:
0xd: {  	s20 =	sadd.s32 $0x1, s20  }
0xe: {  	_ =	swait.ge [sflag:s19], $0x1400;
	p0 =	sne.s32 s20, s8  }
.Ltmp1:
0xf: {  	[sflag:s19] =	ssyncset.done $0x0;
	(pc) =	sbr.rel @!p0 .LBB2_19-.Ltmp1, $4  }
0x10: {  	[sflag:s19] =	ssyncadd.s32 $0xFFFFEC00  }
0x11: {  	_ =	swait.ge [sflag:s18], $0x1400  }
0x12: {  	[sflag:s18] =	ssyncset.done $0x0  }
0x13: {  	[sflag:s18] =	ssyncadd.s32 $0xFFFFEC00  }
.LBB2_1:
.Ltmp2:
0x14: {  	(pc) =	sbr.rel .LBB2_2-.Ltmp2, $2  }
0x15: {  	_ =	sdelay $0x2  }
0x16: {  	s21 =	simm.s32 $0x0  }
.LBB2_17:
0x17: {  	p0 =	sne.s32 s21, $0x19  }
.Ltmp3:
0x18: {  	_ = 	snop;
	(pc) =	sbr.rel @!p0 .LBB2_18-.Ltmp3, $3  }
0x19: {  	_ =	sdelay $0x1  }
0x1a: {  	s22 =	sadd.s32 $0x1, s21  }
0x1b: {  	s21 =	smov.u32 s22  }
.LBB2_2:
0x1c: {  	s22 =	sadd.s32 s6, s21  }
0x1d: {  	s23 =	sshrl.u32 s22, $0x5  }
0x1e: {  	s25 =	sand.u32 $0x1F, s22;
	s24 =	smul.u32 $0x30D400, s23  }
0x1f: {  	s25 =	smul.u32 $0x186A0, s25;
	_ =	sdelay $0x1  }
0x20: {  	s23 =	smul.u32 $0x14000, s23;
	s24 =	sadd.s32 s25, s24  }
0x21: {  	s24 =	sshrl.u32 s24, $0x3  }
0x22: {  	s28 =	sshrl.u32 s23, $0x3;
	s24 =	sadd.s32 s5, s24  }
0x23: {  	[tilespmem:s2], [sflag:$0x5] =	stream.linear.gather [hbm4b:s24+s2], $0x186A0, $0x38;
	[tilespmem:$0x1D6A0] =	vst v63  }
0x24: {  	s29 =	sadd.s32 s4, s28  }
0x25: {  	[tilespmem:s11], [sflag:$0x3] =	stream.strided.gather [hbm4b:s29+s9], $0x1400, s10, s9, $0x38;
	[tilespmem:$0x1D6A0] =	vst v63  }
0x26: {  	p0 =	seq.s32 s21, $0x0;
	s24 =	sadd.s32 s28, s7  }
0x27: {  	[tilespmem:s12], [sflag:$0x4] =	stream.strided.gather [hbm4b:s24+s9], $0x1400, s10, s9, $0x38;
	[tilespmem:$0x1D6A0] =	vst v63  }
0x28: {  	s24 =	simm.s32 @!p0 $0x1  }
0x29: {  	_ =	swait.ge @!p0 [sflag:s24], $0x1400  }
0x2a: {  	[sflag:s24] =	ssyncset.done @!p0 $0x0  }
0x2b: {  	[sflag:s24] =	ssyncadd.s32 @!p0 $0xFFFFEC00;
	s24 =	simm.s32 @!p0 $0x2  }
0x2c: {  	_ =	swait.ge @!p0 [sflag:s24], $0x1400  }
0x2d: {  	[sflag:s24] =	ssyncset.done @!p0 $0x0  }
0x2e: {  	s30 =	sshll.u32 s22, $0xC;
	s31 =	sshll.u32 s22, $0x7;
	[sflag:s24] =	ssyncadd.s32 @!p0 $0xFFFFEC00  }
0x2f: {  	s22 =	sor.u32 $0x200, s23;
	s25 =	sand.u32 $0x380, s31;
	_ =	swait.ge [sflag:s13], $0x186A0  }
0x30: {  	s23 =	sor.u32 $0x300, s23;
	s24 =	sand.u32 $0x7FFF8000, s30;
	[sflag:s13] =	ssyncset.done $0x0  }
0x31: {  	s24 =	sor.u32 s24, s25;
	s25 =	simm.s32 $0x0;
	[sflag:s13] =	ssyncadd.s32 $0xFFFE7960  }
.LBB2_3:
0x32: {  	_ =	swait.ge [sflag:s14], $0x1400  }
0x33: {  	p0 =	seq.s32 s25, $0x0;
	[sflag:s14] =	ssyncset.done $0x0  }
0x34: {  	s26 =	simm.s32 @!p0 $0x1;
	[sflag:s14] =	ssyncadd.s32 $0xFFFFEC00  }
0x35: {  	_ =	swait.ge @!p0 [sflag:s26], $0x1400  }
0x36: {  	[sflag:s26] =	ssyncset.done @!p0 $0x0  }
0x37: {  	s28 =	simm.s32 $0x0;
	[sflag:s26] =	ssyncadd.s32 @!p0 $0xFFFFEC00  }
0x38: {  	v0 =	vld [tilespmem:s28+$0x186A0];
	_ =	sdelay $0x5  }
0x39: {  	v1 =	vld [tilespmem:s28+$0x186B0];
	_ =	sdelay $0x1  }
0x3a: {  	v0 =	vld.idx.msk [tilespmem:v0+s2+$0x0], $0xffff;
	_ =	sdelay $0x4  }
0x3b: {  	[tilespmem:s28+$0x1AEA0] =	vst v0;
	v0 =	vld [tilespmem:s28+$0x186C0]  }
0x3c: {  	v1 =	vld.idx.msk [tilespmem:v1+s2+$0x0], $0xffff;
	_ =	sdelay $0x4  }
0x3d: {  	[tilespmem:s28+$0x1AEB0] =	vst v1;
	v1 =	vld [tilespmem:s28+$0x186D0];
	_ =	sdelay $0x1  }
0x3e: {  	v0 =	vld.idx.msk [tilespmem:v0+s2+$0x0], $0xffff;
	_ =	sdelay $0x4  }
0x3f: {  	[tilespmem:s28+$0x1AEC0] =	vst v0;
	v0 =	vld [tilespmem:s28+$0x186E0]  }
0x40: {  	v1 =	vld.idx.msk [tilespmem:v1+s2+$0x0], $0xffff;
	_ =	sdelay $0x4  }
0x41: {  	[tilespmem:s28+$0x1AED0] =	vst v1;
	v1 =	vld [tilespmem:s28+$0x186F0];
	_ =	sdelay $0x1  }
0x42: {  	v0 =	vld.idx.msk [tilespmem:v0+s2+$0x0], $0xffff;
	_ =	sdelay $0x4  }
0x43: {  	[tilespmem:s28+$0x1AEE0] =	vst v0;
	v0 =	vld [tilespmem:s28+$0x18700]  }
0x44: {  	v1 =	vld.idx.msk [tilespmem:v1+s2+$0x0], $0xffff;
	_ =	sdelay $0x4  }
0x45: {  	[tilespmem:s28+$0x1AEF0] =	vst v1;
	v1 =	vld [tilespmem:s28+$0x18710];
	_ =	sdelay $0x1  }
0x46: {  	v0 =	vld.idx.msk [tilespmem:v0+s2+$0x0], $0xffff;
	_ =	sdelay $0x4  }
0x47: {  	[tilespmem:s28+$0x1AF00] =	vst v0;
	v0 =	vld [tilespmem:s28+$0x18720]  }
0x48: {  	v1 =	vld.idx.msk [tilespmem:v1+s2+$0x0], $0xffff;
	_ =	sdelay $0x4  }
0x49: {  	[tilespmem:s28+$0x1AF10] =	vst v1;
	v1 =	vld [tilespmem:s28+$0x18730];
	_ =	sdelay $0x1  }
0x4a: {  	v0 =	vld.idx.msk [tilespmem:v0+s2+$0x0], $0xffff;
	_ =	sdelay $0x4  }
0x4b: {  	[tilespmem:s28+$0x1AF20] =	vst v0;
	v0 =	vld [tilespmem:s28+$0x18740]  }
0x4c: {  	v1 =	vld.idx.msk [tilespmem:v1+s2+$0x0], $0xffff;
	_ =	sdelay $0x4  }
0x4d: {  	[tilespmem:s28+$0x1AF30] =	vst v1;
	v1 =	vld [tilespmem:s28+$0x18750];
	_ =	sdelay $0x1  }
0x4e: {  	v0 =	vld.idx.msk [tilespmem:v0+s2+$0x0], $0xffff;
	_ =	sdelay $0x4  }
0x4f: {  	[tilespmem:s28+$0x1AF40] =	vst v0;
	v0 =	vld [tilespmem:s28+$0x18760]  }
0x50: {  	v1 =	vld.idx.msk [tilespmem:v1+s2+$0x0], $0xffff;
	_ =	sdelay $0x4  }
0x51: {  	[tilespmem:s28+$0x1AF50] =	vst v1;
	v1 =	vld [tilespmem:s28+$0x18770];
	_ =	sdelay $0x1  }
0x52: {  	v0 =	vld.idx.msk [tilespmem:v0+s2+$0x0], $0xffff;
	_ =	sdelay $0x4  }
0x53: {  	v2 =	vld [tilespmem:s28+$0x18780];
	[tilespmem:s28+$0x1AF60] =	vst v0  }
0x54: {  	v0 =	vld.idx.msk [tilespmem:v1+s2+$0x0], $0xffff;
	_ =	sdelay $0x4  }
0x55: {  	[tilespmem:s28+$0x1AF70] =	vst v0;
	v0 =	vld [tilespmem:s28+$0x18790];
	_ =	sdelay $0x1  }
0x56: {  	v1 =	vld.idx.msk [tilespmem:v2+s2+$0x0], $0xffff;
	_ =	sdelay $0x3  }
0x57: {  	s30 =	simm.s32 $0x100;
	s29 =	simm.s32 $0x800;
	s26 =	sshll.u32 s25, $0x9  }
.LBB2_4:
0x58: {  	p1 =	sne.s32 s29, $0x4C00;
	v2 =	vld [tilespmem:s30+$0x186A0];
	[tilespmem:s28+$0x1AF80] =	vst v1  }
0x59: {  	v0 =	vld.idx.msk [tilespmem:v0+s2+$0x0], $0xffff;
	_ =	sdelay $0x5  }
0x5a: {  	v1 =	vld [tilespmem:s30+$0x186B0];
	[tilespmem:s28+$0x1AF90] =	vst v0;
	s28 =	smov.u32 s30  }
0x5b: {  	v0 =	vld.idx.msk [tilespmem:v2+s2+$0x0], $0xffff;
	_ =	sdelay $0x5  }
0x5c: {  	[tilespmem:s28+$0x1AEA0] =	vst v0;
	v0 =	vld [tilespmem:s28+$0x186C0]  }
0x5d: {  	v1 =	vld.idx.msk [tilespmem:v1+s2+$0x0], $0xffff;
	_ =	sdelay $0x5  }
0x5e: {  	[tilespmem:s28+$0x1AEB0] =	vst v1;
	v1 =	vld [tilespmem:s28+$0x186D0]  }
0x5f: {  	v0 =	vld.idx.msk [tilespmem:v0+s2+$0x0], $0xffff;
	_ =	sdelay $0x5  }
0x60: {  	[tilespmem:s28+$0x1AEC0] =	vst v0;
	v0 =	vld [tilespmem:s28+$0x186E0]  }
0x61: {  	v1 =	vld.idx.msk [tilespmem:v1+s2+$0x0], $0xffff;
	_ =	sdelay $0x5  }
0x62: {  	[tilespmem:s28+$0x1AED0] =	vst v1;
	v1 =	vld [tilespmem:s28+$0x186F0]  }
0x63: {  	v0 =	vld.idx.msk [tilespmem:v0+s2+$0x0], $0xffff;
	_ =	sdelay $0x5  }
0x64: {  	[tilespmem:s28+$0x1AEE0] =	vst v0;
	v0 =	vld [tilespmem:s28+$0x18700]  }
0x65: {  	v1 =	vld.idx.msk [tilespmem:v1+s2+$0x0], $0xffff;
	_ =	sdelay $0x5  }
0x66: {  	[tilespmem:s28+$0x1AEF0] =	vst v1;
	v1 =	vld [tilespmem:s28+$0x18710]  }
0x67: {  	v0 =	vld.idx.msk [tilespmem:v0+s2+$0x0], $0xffff;
	_ =	sdelay $0x5  }
0x68: {  	[tilespmem:s28+$0x1AF00] =	vst v0;
	v0 =	vld [tilespmem:s28+$0x18720]  }
0x69: {  	v1 =	vld.idx.msk [tilespmem:v1+s2+$0x0], $0xffff;
	_ =	sdelay $0x5  }
0x6a: {  	[tilespmem:s28+$0x1AF10] =	vst v1;
	v1 =	vld [tilespmem:s28+$0x18730]  }
0x6b: {  	v0 =	vld.idx.msk [tilespmem:v0+s2+$0x0], $0xffff;
	_ =	sdelay $0x5  }
0x6c: {  	[tilespmem:s28+$0x1AF20] =	vst v0;
	v0 =	vld [tilespmem:s28+$0x18740]  }
0x6d: {  	v1 =	vld.idx.msk [tilespmem:v1+s2+$0x0], $0xffff;
	_ =	sdelay $0x5  }
0x6e: {  	[tilespmem:s28+$0x1AF30] =	vst v1;
	v1 =	vld [tilespmem:s28+$0x18750]  }
0x6f: {  	v0 =	vld.idx.msk [tilespmem:v0+s2+$0x0], $0xffff;
	_ =	sdelay $0x5  }
0x70: {  	[tilespmem:s28+$0x1AF40] =	vst v0;
	v0 =	vld [tilespmem:s28+$0x18760]  }
0x71: {  	v1 =	vld.idx.msk [tilespmem:v1+s2+$0x0], $0xffff;
	_ =	sdelay $0x5  }
0x72: {  	[tilespmem:s28+$0x1AF50] =	vst v1;
	v1 =	vld [tilespmem:s28+$0x18770]  }
0x73: {  	v0 =	vld.idx.msk [tilespmem:v0+s2+$0x0], $0xffff;
	_ =	sdelay $0x5  }
0x74: {  	[tilespmem:s28+$0x1AF60] =	vst v0;
	v2 =	vld [tilespmem:s28+$0x18780]  }
0x75: {  	v0 =	vld.idx.msk [tilespmem:v1+s2+$0x0], $0xffff;
	_ =	sdelay $0x5  }
0x76: {  	[tilespmem:s28+$0x1AF70] =	vst v0;
	v0 =	vld [tilespmem:s28+$0x18790]  }
0x77: {  	v1 =	vld.idx.msk [tilespmem:v2+s2+$0x0], $0xffff  }
.Ltmp4:
0x78: {  	(pc) =	sbr.rel @p1 .LBB2_4-.Ltmp4, $2  }
0x79: {  	_ =	sdelay $0x2  }
0x7a: {  	s30 =	sshra.s32 s29, $0x2;
	s29 =	sadd.s32 $0x400, s29  }
0x7b: {  	_ =	sdelay $0x1  }
0x7c: {  	v2 =	vld [tilespmem:s30+$0x186A0]  }
0x7d: {  	[tilespmem:s28+$0x1AF80] =	vst v1  }
0x7e: {  	v0 =	vld.idx.msk [tilespmem:v0+s2+$0x0], $0xffff;
	_ =	sdelay $0x3  }
0x7f: {  	v1 =	vld [tilespmem:s30+$0x186B0]  }
0x80: {  	[tilespmem:s28+$0x1AF90] =	vst v0  }
0x81: {  	v0 =	vld.idx.msk [tilespmem:v2+s2+$0x0], $0xffff;
	_ =	sdelay $0x3  }
0x82: {  	v50 =	vld [tilespmem:s30+$0x186C0]  }
0x83: {  	[tilespmem:s30+$0x1AEA0] =	vst v0  }
0x84: {  	v1 =	vld.idx.msk [tilespmem:v1+s2+$0x0], $0xffff;
	_ =	sdelay $0x3  }
0x85: {  	v51 =	vld [tilespmem:s30+$0x186D0]  }
0x86: {  	[tilespmem:s30+$0x1AEB0] =	vst v1  }
0x87: {  	v0 =	vld.idx.msk [tilespmem:v50+s2+$0x0], $0xffff;
	_ =	sdelay $0x3  }
0x88: {  	v52 =	vld [tilespmem:s30+$0x186E0]  }
0x89: {  	[tilespmem:s30+$0x1AEC0] =	vst v0  }
0x8a: {  	v1 =	vld.idx.msk [tilespmem:v51+s2+$0x0], $0xffff;
	_ =	sdelay $0x3  }
0x8b: {  	v53 =	vld [tilespmem:s30+$0x186F0]  }
0x8c: {  	[tilespmem:s30+$0x1AED0] =	vst v1  }
0x8d: {  	v0 =	vld.idx.msk [tilespmem:v52+s2+$0x0], $0xffff;
	_ =	sdelay $0x3  }
0x8e: {  	v54 =	vld [tilespmem:s30+$0x18700]  }
0x8f: {  	[tilespmem:s30+$0x1AEE0] =	vst v0  }
0x90: {  	v1 =	vld.idx.msk [tilespmem:v53+s2+$0x0], $0xffff;
	_ =	sdelay $0x3  }
0x91: {  	v55 =	vld [tilespmem:s30+$0x18710]  }
0x92: {  	[tilespmem:s30+$0x1AEF0] =	vst v1  }
0x93: {  	v0 =	vld.idx.msk [tilespmem:v54+s2+$0x0], $0xffff;
	_ =	sdelay $0x3  }
0x94: {  	v56 =	vld [tilespmem:s30+$0x18720]  }
0x95: {  	[tilespmem:s30+$0x1AF00] =	vst v0  }
0x96: {  	v1 =	vld.idx.msk [tilespmem:v55+s2+$0x0], $0xffff;
	_ =	sdelay $0x3  }
0x97: {  	v57 =	vld [tilespmem:s30+$0x18730]  }
0x98: {  	[tilespmem:s30+$0x1AF10] =	vst v1  }
0x99: {  	v0 =	vld.idx.msk [tilespmem:v56+s2+$0x0], $0xffff;
	_ =	sdelay $0x3  }
0x9a: {  	v58 =	vld [tilespmem:s30+$0x18740]  }
0x9b: {  	[tilespmem:s30+$0x1AF20] =	vst v0  }
0x9c: {  	v1 =	vld.idx.msk [tilespmem:v57+s2+$0x0], $0xffff;
	_ =	sdelay $0x3  }
0x9d: {  	v59 =	vld [tilespmem:s30+$0x18750]  }
0x9e: {  	[tilespmem:s30+$0x1AF30] =	vst v1  }
0x9f: {  	v0 =	vld.idx.msk [tilespmem:v58+s2+$0x0], $0xffff;
	_ =	sdelay $0x3  }
0xa0: {  	v60 =	vld [tilespmem:s30+$0x18760]  }
0xa1: {  	[tilespmem:s30+$0x1AF40] =	vst v0  }
0xa2: {  	v1 =	vld.idx.msk [tilespmem:v59+s2+$0x0], $0xffff;
	_ =	sdelay $0x3  }
0xa3: {  	v61 =	vld [tilespmem:s30+$0x18770]  }
0xa4: {  	[tilespmem:s30+$0x1AF50] =	vst v1  }
0xa5: {  	v0 =	vld.idx.msk [tilespmem:v60+s2+$0x0], $0xffff;
	_ =	sdelay $0x3  }
0xa6: {  	v62 =	vld [tilespmem:s30+$0x18780]  }
0xa7: {  	[tilespmem:s30+$0x1AF60] =	vst v0  }
0xa8: {  	v1 =	vld.idx.msk [tilespmem:v61+s2+$0x0], $0xffff;
	_ =	sdelay $0x3  }
0xa9: {  	v63 =	vld [tilespmem:s30+$0x18790]  }
0xaa: {  	[tilespmem:s30+$0x1AF70] =	vst v1  }
0xab: {  	v0 =	vld.idx.msk [tilespmem:v62+s2+$0x0], $0xffff;
	_ =	sdelay $0x4  }
0xac: {  	[tilespmem:s30+$0x1AF80] =	vst v0  }
0xad: {  	v0 =	vld.idx.msk [tilespmem:v63+s2+$0x0], $0xffff;
	_ =	sdelay $0x1  }
0xae: {  	s28 =	sshll.u32 s25, $0xC  }
0xaf: {  	s28 =	sor.u32 s28, s24  }
0xb0: {  	s28 =	sshrl.u32 s28, $0x3  }
0xb1: {  	s29 =	sadd.s32 s1, s28;
	[tilespmem:s30+$0x1AF90] =	vst v0;
	s30 =	simm.s32 $0x1AEA0  }
0xb2: {  	[hbm4b:s29+s15] =	stream.strided.scatter [tilespmem:s30], [sflag:$0x1], $0x100, s16, s15, $0x38;
	[tilespmem:$0x1D6A0] =	vst v63  }
0xb3: {  	s30 =	simm.s32 $0x400  }
.LBB2_6:
0xb4: {  	p1 =	sne.s32 s30, $0x4C00  }
.Ltmp5:
0xb5: {  	_ = 	snop;
	(pc) =	sbr.rel @p1 .LBB2_6-.Ltmp5, $4  }
0xb6: {  	_ = 	snop  }
0xb7: {  	s31 =	sshra.s32 s30, $0x2;
	s30 =	sadd.s32 $0x400, s30  }
0xb8: {  	s29 =	sadd.s32 $0x68000, s29;
	s31 =	sadd.s32 $0x1AEA0, s31  }
0xb9: {  	[hbm4b:s29+s15] =	stream.strided.scatter [tilespmem:s31], [sflag:$0x1], $0x100, s16, s15, $0x38;
	[tilespmem:$0x1D6A0] =	vst v63  }
0xba: {  	p1 =	sne.s32 s25, $0x7  }
.Ltmp6:
0xbb: {  	_ = 	snop;
	(pc) =	sbr.rel @p1 .LBB2_9-.Ltmp6, $1  }
0xbc: {  	_ =	sdelay $0x3  }
.Ltmp7:
0xbd: {  	(pc) =	sbr.rel .LBB2_10-.Ltmp7, $4  }
0xbe: {  	_ = 	snop  }
0xbf: {  	_ =	swait.ge [sflag:s17], $0x1400  }
0xc0: {  	[sflag:s17] =	ssyncset.done $0x0  }
0xc1: {  	[sflag:s17] =	ssyncadd.s32 $0xFFFFEC00  }
.LBB2_9:
0xc2: {  	s29 =	sadd.s32 s22, s26  }
0xc3: {  	s29 =	sshrl.u32 s29, $0x3  }
.Ltmp8:
0xc4: {  	s29 =	sadd.s32 s4, s29;
	(pc) =	sbr.rel @p0 .LBB2_11-.Ltmp8, $4  }
0xc5: {  	[tilespmem:s11], [sflag:$0x3] =	stream.strided.gather [hbm4b:s29+s9], $0x1400, s10, s9, $0x38;
	[tilespmem:$0x1D6A0] =	vst v63  }
0xc6: {  	_ =	swait.ge [sflag:s17], $0x1400  }
0xc7: {  	[sflag:s17] =	ssyncset.done $0x0  }
0xc8: {  	[sflag:s17] =	ssyncadd.s32 $0xFFFFEC00  }
.LBB2_10:
0xc9: {  	_ =	swait.ge [sflag:s18], $0x1400  }
0xca: {  	[sflag:s18] =	ssyncset.done $0x0  }
0xcb: {  	[sflag:s18] =	ssyncadd.s32 $0xFFFFEC00  }
.LBB2_11:
0xcc: {  	s29 =	simm.s32 $0x0  }
0xcd: {  	v0 =	vld [tilespmem:s29+$0x19AA0];
	_ =	sdelay $0x5  }
0xce: {  	v1 =	vld [tilespmem:s29+$0x19AB0];
	_ =	sdelay $0x1  }
0xcf: {  	v0 =	vld.idx.msk [tilespmem:v0+s2+$0x0], $0xffff;
	_ =	sdelay $0x4  }
0xd0: {  	[tilespmem:s29+$0x1C2A0] =	vst v0;
	v0 =	vld [tilespmem:s29+$0x19AC0]  }
0xd1: {  	v1 =	vld.idx.msk [tilespmem:v1+s2+$0x0], $0xffff;
	_ =	sdelay $0x4  }
0xd2: {  	[tilespmem:s29+$0x1C2B0] =	vst v1;
	v1 =	vld [tilespmem:s29+$0x19AD0];
	_ =	sdelay $0x1  }
0xd3: {  	v0 =	vld.idx.msk [tilespmem:v0+s2+$0x0], $0xffff;
	_ =	sdelay $0x4  }
0xd4: {  	[tilespmem:s29+$0x1C2C0] =	vst v0;
	v0 =	vld [tilespmem:s29+$0x19AE0]  }
0xd5: {  	v1 =	vld.idx.msk [tilespmem:v1+s2+$0x0], $0xffff;
	_ =	sdelay $0x4  }
0xd6: {  	[tilespmem:s29+$0x1C2D0] =	vst v1;
	v1 =	vld [tilespmem:s29+$0x19AF0];
	_ =	sdelay $0x1  }
0xd7: {  	v0 =	vld.idx.msk [tilespmem:v0+s2+$0x0], $0xffff;
	_ =	sdelay $0x4  }
0xd8: {  	[tilespmem:s29+$0x1C2E0] =	vst v0;
	v0 =	vld [tilespmem:s29+$0x19B00]  }
0xd9: {  	v1 =	vld.idx.msk [tilespmem:v1+s2+$0x0], $0xffff;
	_ =	sdelay $0x4  }
0xda: {  	[tilespmem:s29+$0x1C2F0] =	vst v1;
	v1 =	vld [tilespmem:s29+$0x19B10];
	_ =	sdelay $0x1  }
0xdb: {  	v0 =	vld.idx.msk [tilespmem:v0+s2+$0x0], $0xffff;
	_ =	sdelay $0x4  }
0xdc: {  	[tilespmem:s29+$0x1C300] =	vst v0;
	v0 =	vld [tilespmem:s29+$0x19B20]  }
0xdd: {  	v1 =	vld.idx.msk [tilespmem:v1+s2+$0x0], $0xffff;
	_ =	sdelay $0x4  }
0xde: {  	[tilespmem:s29+$0x1C310] =	vst v1;
	v1 =	vld [tilespmem:s29+$0x19B30];
	_ =	sdelay $0x1  }
0xdf: {  	v0 =	vld.idx.msk [tilespmem:v0+s2+$0x0], $0xffff;
	_ =	sdelay $0x4  }
0xe0: {  	[tilespmem:s29+$0x1C320] =	vst v0;
	v0 =	vld [tilespmem:s29+$0x19B40]  }
0xe1: {  	v1 =	vld.idx.msk [tilespmem:v1+s2+$0x0], $0xffff;
	_ =	sdelay $0x4  }
0xe2: {  	[tilespmem:s29+$0x1C330] =	vst v1;
	v1 =	vld [tilespmem:s29+$0x19B50];
	_ =	sdelay $0x1  }
0xe3: {  	v0 =	vld.idx.msk [tilespmem:v0+s2+$0x0], $0xffff;
	_ =	sdelay $0x4  }
0xe4: {  	[tilespmem:s29+$0x1C340] =	vst v0;
	v0 =	vld [tilespmem:s29+$0x19B60]  }
0xe5: {  	v1 =	vld.idx.msk [tilespmem:v1+s2+$0x0], $0xffff;
	_ =	sdelay $0x4  }
0xe6: {  	[tilespmem:s29+$0x1C350] =	vst v1;
	v1 =	vld [tilespmem:s29+$0x19B70];
	_ =	sdelay $0x1  }
0xe7: {  	v0 =	vld.idx.msk [tilespmem:v0+s2+$0x0], $0xffff;
	_ =	sdelay $0x4  }
0xe8: {  	v2 =	vld [tilespmem:s29+$0x19B80];
	[tilespmem:s29+$0x1C360] =	vst v0  }
0xe9: {  	v0 =	vld.idx.msk [tilespmem:v1+s2+$0x0], $0xffff;
	_ =	sdelay $0x4  }
0xea: {  	[tilespmem:s29+$0x1C370] =	vst v0;
	v0 =	vld [tilespmem:s29+$0x19B90];
	_ =	sdelay $0x1  }
0xeb: {  	v1 =	vld.idx.msk [tilespmem:v2+s2+$0x0], $0xffff;
	_ =	sdelay $0x3  }
0xec: {  	s31 =	simm.s32 $0x100;
	s30 =	simm.s32 $0x800  }
.LBB2_12:
0xed: {  	p0 =	sne.s32 s30, $0x4C00;
	v2 =	vld [tilespmem:s31+$0x19AA0];
	[tilespmem:s29+$0x1C380] =	vst v1  }
0xee: {  	v0 =	vld.idx.msk [tilespmem:v0+s2+$0x0], $0xffff;
	_ =	sdelay $0x5  }
0xef: {  	v1 =	vld [tilespmem:s31+$0x19AB0];
	[tilespmem:s29+$0x1C390] =	vst v0;
	s29 =	smov.u32 s31  }
0xf0: {  	v0 =	vld.idx.msk [tilespmem:v2+s2+$0x0], $0xffff;
	_ =	sdelay $0x5  }
0xf1: {  	[tilespmem:s29+$0x1C2A0] =	vst v0;
	v0 =	vld [tilespmem:s29+$0x19AC0]  }
0xf2: {  	v1 =	vld.idx.msk [tilespmem:v1+s2+$0x0], $0xffff;
	_ =	sdelay $0x5  }
0xf3: {  	[tilespmem:s29+$0x1C2B0] =	vst v1;
	v1 =	vld [tilespmem:s29+$0x19AD0]  }
0xf4: {  	v0 =	vld.idx.msk [tilespmem:v0+s2+$0x0], $0xffff;
	_ =	sdelay $0x5  }
0xf5: {  	[tilespmem:s29+$0x1C2C0] =	vst v0;
	v0 =	vld [tilespmem:s29+$0x19AE0]  }
0xf6: {  	v1 =	vld.idx.msk [tilespmem:v1+s2+$0x0], $0xffff;
	_ =	sdelay $0x5  }
0xf7: {  	[tilespmem:s29+$0x1C2D0] =	vst v1;
	v1 =	vld [tilespmem:s29+$0x19AF0]  }
0xf8: {  	v0 =	vld.idx.msk [tilespmem:v0+s2+$0x0], $0xffff;
	_ =	sdelay $0x5  }
0xf9: {  	[tilespmem:s29+$0x1C2E0] =	vst v0;
	v0 =	vld [tilespmem:s29+$0x19B00]  }
0xfa: {  	v1 =	vld.idx.msk [tilespmem:v1+s2+$0x0], $0xffff;
	_ =	sdelay $0x5  }
0xfb: {  	[tilespmem:s29+$0x1C2F0] =	vst v1;
	v1 =	vld [tilespmem:s29+$0x19B10]  }
0xfc: {  	v0 =	vld.idx.msk [tilespmem:v0+s2+$0x0], $0xffff;
	_ =	sdelay $0x5  }
0xfd: {  	[tilespmem:s29+$0x1C300] =	vst v0;
	v0 =	vld [tilespmem:s29+$0x19B20]  }
0xfe: {  	v1 =	vld.idx.msk [tilespmem:v1+s2+$0x0], $0xffff;
	_ =	sdelay $0x5  }
0xff: {  	[tilespmem:s29+$0x1C310] =	vst v1;
	v1 =	vld [tilespmem:s29+$0x19B30]  }
0x100: {  	v0 =	vld.idx.msk [tilespmem:v0+s2+$0x0], $0xffff;
	_ =	sdelay $0x5  }
0x101: {  	[tilespmem:s29+$0x1C320] =	vst v0;
	v0 =	vld [tilespmem:s29+$0x19B40]  }
0x102: {  	v1 =	vld.idx.msk [tilespmem:v1+s2+$0x0], $0xffff;
	_ =	sdelay $0x5  }
0x103: {  	[tilespmem:s29+$0x1C330] =	vst v1;
	v1 =	vld [tilespmem:s29+$0x19B50]  }
0x104: {  	v0 =	vld.idx.msk [tilespmem:v0+s2+$0x0], $0xffff;
	_ =	sdelay $0x5  }
0x105: {  	[tilespmem:s29+$0x1C340] =	vst v0;
	v0 =	vld [tilespmem:s29+$0x19B60]  }
0x106: {  	v1 =	vld.idx.msk [tilespmem:v1+s2+$0x0], $0xffff;
	_ =	sdelay $0x5  }
0x107: {  	[tilespmem:s29+$0x1C350] =	vst v1;
	v1 =	vld [tilespmem:s29+$0x19B70]  }
0x108: {  	v0 =	vld.idx.msk [tilespmem:v0+s2+$0x0], $0xffff;
	_ =	sdelay $0x5  }
0x109: {  	[tilespmem:s29+$0x1C360] =	vst v0;
	v2 =	vld [tilespmem:s29+$0x19B80]  }
0x10a: {  	v0 =	vld.idx.msk [tilespmem:v1+s2+$0x0], $0xffff;
	_ =	sdelay $0x5  }
0x10b: {  	[tilespmem:s29+$0x1C370] =	vst v0;
	v0 =	vld [tilespmem:s29+$0x19B90]  }
0x10c: {  	v1 =	vld.idx.msk [tilespmem:v2+s2+$0x0], $0xffff  }
.Ltmp9:
0x10d: {  	(pc) =	sbr.rel @p0 .LBB2_12-.Ltmp9, $2  }
0x10e: {  	_ =	sdelay $0x2  }
0x10f: {  	s31 =	sshra.s32 s30, $0x2;
	s30 =	sadd.s32 $0x400, s30  }
0x110: {  	_ =	sdelay $0x1  }
0x111: {  	v2 =	vld [tilespmem:s31+$0x19AA0]  }
0x112: {  	[tilespmem:s29+$0x1C380] =	vst v1  }
0x113: {  	v0 =	vld.idx.msk [tilespmem:v0+s2+$0x0], $0xffff;
	_ =	sdelay $0x3  }
0x114: {  	v1 =	vld [tilespmem:s31+$0x19AB0]  }
0x115: {  	[tilespmem:s29+$0x1C390] =	vst v0  }
0x116: {  	v0 =	vld.idx.msk [tilespmem:v2+s2+$0x0], $0xffff;
	_ =	sdelay $0x3  }
0x117: {  	v50 =	vld [tilespmem:s31+$0x19AC0]  }
0x118: {  	[tilespmem:s31+$0x1C2A0] =	vst v0  }
0x119: {  	v1 =	vld.idx.msk [tilespmem:v1+s2+$0x0], $0xffff;
	_ =	sdelay $0x3  }
0x11a: {  	v51 =	vld [tilespmem:s31+$0x19AD0]  }
0x11b: {  	[tilespmem:s31+$0x1C2B0] =	vst v1  }
0x11c: {  	v0 =	vld.idx.msk [tilespmem:v50+s2+$0x0], $0xffff;
	_ =	sdelay $0x3  }
0x11d: {  	v52 =	vld [tilespmem:s31+$0x19AE0]  }
0x11e: {  	[tilespmem:s31+$0x1C2C0] =	vst v0  }
0x11f: {  	v1 =	vld.idx.msk [tilespmem:v51+s2+$0x0], $0xffff;
	_ =	sdelay $0x3  }
0x120: {  	v53 =	vld [tilespmem:s31+$0x19AF0]  }
0x121: {  	[tilespmem:s31+$0x1C2D0] =	vst v1  }
0x122: {  	v0 =	vld.idx.msk [tilespmem:v52+s2+$0x0], $0xffff;
	_ =	sdelay $0x3  }
0x123: {  	v54 =	vld [tilespmem:s31+$0x19B00]  }
0x124: {  	[tilespmem:s31+$0x1C2E0] =	vst v0  }
0x125: {  	v1 =	vld.idx.msk [tilespmem:v53+s2+$0x0], $0xffff;
	_ =	sdelay $0x3  }
0x126: {  	v55 =	vld [tilespmem:s31+$0x19B10]  }
0x127: {  	[tilespmem:s31+$0x1C2F0] =	vst v1  }
0x128: {  	v0 =	vld.idx.msk [tilespmem:v54+s2+$0x0], $0xffff;
	_ =	sdelay $0x3  }
0x129: {  	v56 =	vld [tilespmem:s31+$0x19B20]  }
0x12a: {  	[tilespmem:s31+$0x1C300] =	vst v0  }
0x12b: {  	v1 =	vld.idx.msk [tilespmem:v55+s2+$0x0], $0xffff;
	_ =	sdelay $0x3  }
0x12c: {  	v57 =	vld [tilespmem:s31+$0x19B30]  }
0x12d: {  	[tilespmem:s31+$0x1C310] =	vst v1  }
0x12e: {  	v0 =	vld.idx.msk [tilespmem:v56+s2+$0x0], $0xffff;
	_ =	sdelay $0x3  }
0x12f: {  	v58 =	vld [tilespmem:s31+$0x19B40]  }
0x130: {  	[tilespmem:s31+$0x1C320] =	vst v0  }
0x131: {  	v1 =	vld.idx.msk [tilespmem:v57+s2+$0x0], $0xffff;
	_ =	sdelay $0x3  }
0x132: {  	v59 =	vld [tilespmem:s31+$0x19B50]  }
0x133: {  	[tilespmem:s31+$0x1C330] =	vst v1  }
0x134: {  	v0 =	vld.idx.msk [tilespmem:v58+s2+$0x0], $0xffff;
	_ =	sdelay $0x3  }
0x135: {  	v60 =	vld [tilespmem:s31+$0x19B60]  }
0x136: {  	[tilespmem:s31+$0x1C340] =	vst v0  }
0x137: {  	v1 =	vld.idx.msk [tilespmem:v59+s2+$0x0], $0xffff;
	_ =	sdelay $0x3  }
0x138: {  	v61 =	vld [tilespmem:s31+$0x19B70]  }
0x139: {  	[tilespmem:s31+$0x1C350] =	vst v1  }
0x13a: {  	v0 =	vld.idx.msk [tilespmem:v60+s2+$0x0], $0xffff;
	_ =	sdelay $0x3  }
0x13b: {  	v62 =	vld [tilespmem:s31+$0x19B80]  }
0x13c: {  	[tilespmem:s31+$0x1C360] =	vst v0  }
0x13d: {  	v1 =	vld.idx.msk [tilespmem:v61+s2+$0x0], $0xffff;
	_ =	sdelay $0x3  }
0x13e: {  	v63 =	vld [tilespmem:s31+$0x19B90]  }
0x13f: {  	[tilespmem:s31+$0x1C370] =	vst v1  }
0x140: {  	v0 =	vld.idx.msk [tilespmem:v62+s2+$0x0], $0xffff;
	_ =	sdelay $0x4  }
0x141: {  	[tilespmem:s31+$0x1C380] =	vst v0  }
0x142: {  	v0 =	vld.idx.msk [tilespmem:v63+s2+$0x0], $0xffff;
	_ =	sdelay $0x3  }
0x143: {  	s28 =	sadd.s32 s28, s1  }
0x144: {  	s28 =	sadd.s32 $0x100, s28;
	s29 =	simm.s32 $0x1C2A0;
	[tilespmem:s31+$0x1C390] =	vst v0  }
0x145: {  	[hbm4b:s28+s15] =	stream.strided.scatter [tilespmem:s29], [sflag:$0x2], $0x100, s16, s15, $0x38;
	[tilespmem:$0x1D6A0] =	vst v63  }
0x146: {  	s29 =	simm.s32 $0x400  }
.LBB2_14:
0x147: {  	p0 =	sne.s32 s29, $0x4C00  }
.Ltmp10:
0x148: {  	_ = 	snop;
	(pc) =	sbr.rel @p0 .LBB2_14-.Ltmp10, $4  }
0x149: {  	_ = 	snop  }
0x14a: {  	s30 =	sshra.s32 s29, $0x2;
	s29 =	sadd.s32 $0x400, s29  }
0x14b: {  	s28 =	sadd.s32 $0x68000, s28;
	s30 =	sadd.s32 $0x1C2A0, s30  }
0x14c: {  	[hbm4b:s28+s15] =	stream.strided.scatter [tilespmem:s30], [sflag:$0x2], $0x100, s16, s15, $0x38;
	[tilespmem:$0x1D6A0] =	vst v63  }
0x14d: {  	p0 =	seq.s32 s25, $0x7  }
.Ltmp11:
0x14e: {  	_ = 	snop;
	(pc) =	sbr.rel @p0 .LBB2_17-.Ltmp11, $1  }
0x14f: {  	_ =	sdelay $0x3  }
.Ltmp12:
0x150: {  	(pc) =	sbr.rel .LBB2_3-.Ltmp12, $4  }
0x151: {  	s26 =	sadd.s32 s23, s26  }
0x152: {  	s26 =	sshrl.u32 s26, $0x3  }
0x153: {  	s25 =	sadd.s32 $0x1, s25;
	s26 =	sadd.s32 s4, s26  }
0x154: {  	[tilespmem:s12], [sflag:$0x4] =	stream.strided.gather [hbm4b:s26+s9], $0x1400, s10, s9, $0x38;
	[tilespmem:$0x1D6A0] =	vst v63  }
.LBB2_19:
0x155: {  	_ =	sfence.sel $0x180000  }
0x156: {  	[bflag:$0x0] =	sbarrier.arrive $0xFFFF  }
0x157: {  	p0 =	sne.s32 s3, $0x0;
	_ =	strace $0x90000047  }
0x158: {  	s0 =	sadd.s32 @!p0 $0x100000, s0;
	[bflag:$0x2] =	sbarrier.arrive $0xFFFF  }
0x159: {  	[sflag:s0] =	ssyncadd.tile.s32 @!p0 $0x1;
	_ =	shalt  }
.Lfunc_end2:
_tile_overlayer_lowered:
.L_overlay_start_2:
0x15a: {  	(tag) =	ssettag $0x2  }
0x15b: {  	s0 =	rddreg [dreg:$0x0];
	s2 =	stileid.u32  }
0x15c: {  	s1 =	rddreg [dreg:$0x1];
	p0 =	sne.s32 s2, $0x0  }
0x15d: {  	s3 =	rddreg [dreg:$0x2];
	[bflag:$0x3] =	sbarrier.arrive $0xFFFF;
	s2 =	simm.s32 @!p0 $0x1C06  }
0x15e: {  	[timem:s3], [sflag:s2] =	dma.local @!p0 [hbm:s0], s1  }
0x15f: {  	s0 =	simm.s32 @!p0 $0x6  }
0x160: {  	_ =	swait.ge @!p0 [sflag:s0], s1  }
0x161: {  	s1 =	ssub.s32 @!p0 $0x0, s1;
	[sflag:s0] =	ssyncset.done @!p0 $0x0  }
0x162: {  	[sflag:s0] =	ssyncadd.s32 @!p0 s1  }
0x163: {  	[bflag:$0x3] =	sbarrier.arrive $0xFFFF  }
0x164: {  	_ =	shalt  }

</sc_bundles>
